<compile_context>
chip_gen: v7x
topology: tpu7x:2x2x1
jax: 0.10.2.dev20260603
libtpu: 0.0.44.dev20260713+nightly
codegen_flags: <defaults>
</compile_context>

<pallas_src>
import functools

import jax
import jax.numpy as jnp
from jax import lax
from jax.experimental import pallas as pl
from jax.experimental.pallas import tpu as pltpu
from jax.experimental.pallas import tpu_sc as plsc

_NC = 2
_NS = 16
_CHUNK = 128
_W = 16


def _sc_degree(n_pad, n_chunks):
    mesh = plsc.VectorSubcoreMesh(core_axis_name="c", subcore_axis_name="s")

    @functools.partial(
        pl.kernel,
        out_type=jax.ShapeDtypeStruct((_NC, n_pad, _W), jnp.float32),
        mesh=mesh,
        compiler_params=pltpu.CompilerParams(use_tc_tiling_on_sc=False),
        scratch_types=[
            pltpu.VMEM((n_chunks, _CHUNK), jnp.int32),
            pltpu.VMEM((_CHUNK, _W), jnp.float32),
            pltpu.VMEM_SHARED((n_pad, _W), jnp.float32),
        ],
    )
    def deg_kernel(ones_hbm, dst_hbm, init_hbm, out_hbm, didx, rows, acc):
        c = lax.axis_index("c")
        s = lax.axis_index("s")

        @pl.when(s == 0)
        def _():
            pltpu.sync_copy(init_hbm, acc)

        w = c * _NS + s
        pltpu.sync_copy(dst_hbm.at[w], didx)
        pltpu.sync_copy(ones_hbm, rows)
        plsc.subcore_barrier()

        def step(i, carry):
            pltpu.sync_copy(rows, acc.at[didx.at[i]], add=True)
            return carry

        lax.fori_loop(0, n_chunks, step, 0)
        plsc.subcore_barrier()

        @pl.when(s == 0)
        def _():
            pltpu.sync_copy(acc, out_hbm.at[c])

    return deg_kernel


def _sc_scatter(n_pad, n_chunks):
    mesh = plsc.VectorSubcoreMesh(core_axis_name="c", subcore_axis_name="s")
    depth = 8
    assert n_chunks % depth == 0

    @functools.partial(
        pl.kernel,
        out_type=jax.ShapeDtypeStruct((_NC, n_pad, _W), jnp.float32),
        mesh=mesh,
        compiler_params=pltpu.CompilerParams(use_tc_tiling_on_sc=False),
        scratch_types=[
            pltpu.VMEM((n_chunks, _CHUNK), jnp.int32),
            pltpu.VMEM((n_chunks, _CHUNK), jnp.int32),
            [pltpu.VMEM((_CHUNK, _W), jnp.float32) for _ in range(depth)],
            [pltpu.SemaphoreType.DMA for _ in range(depth)],
            pltpu.VMEM_SHARED((n_pad, _W), jnp.float32),
            pltpu.VMEM_SHARED((n_pad, _W), jnp.float32),
        ],
    )
    def scat_kernel(table_hbm, src_hbm, dst_hbm, init_hbm, out_hbm,
                    sidx, didx, rows, sems, acc, table_s):
        c = lax.axis_index("c")
        s = lax.axis_index("s")

        @pl.when(s == 0)
        def _():
            pltpu.sync_copy(init_hbm, acc)

        @pl.when(s == 1)
        def _():
            pltpu.sync_copy(table_hbm, table_s)

        w = c * _NS + s
        pltpu.sync_copy(src_hbm.at[w], sidx)
        pltpu.sync_copy(dst_hbm.at[w], didx)
        plsc.subcore_barrier()

        for k in range(depth):
            pltpu.async_copy(table_s.at[sidx.at[k]], rows[k], sems[k])

        def step(q, carry):
            base = q * depth
            for k in range(depth):
                i = base + k
                pltpu.make_async_copy(table_s.at[sidx.at[i]], rows[k],
                                      sems[k]).wait()
                pltpu.sync_copy(rows[k], acc.at[didx.at[i]], add=True)

                @pl.when(i + depth < n_chunks)
                def _():
                    pltpu.async_copy(table_s.at[sidx.at[i + depth]],
                                     rows[k], sems[k])
            return carry

        lax.fori_loop(0, n_chunks // depth, step, 0)
        plsc.subcore_barrier()

        @pl.when(s == 0)
        def _():
            pltpu.sync_copy(acc, out_hbm.at[c])

    return scat_kernel


def _tc_prep_body(degp_ref, x_ref, w1_ref, p1_ref, dinv_ref):
    n = x_ref.shape[0]
    deg = degp_ref[0, :n, 0:1] + degp_ref[1, :n, 0:1] + 1.0
    dinv = lax.rsqrt(deg)
    h1 = jnp.dot(x_ref[...], w1_ref[...], preferred_element_type=jnp.float32)
    p1_ref[...] = jnp.zeros(p1_ref.shape, jnp.float32)
    p1_ref[:n, 0:2] = h1 * dinv
    dinv_ref[...] = dinv


def _tc_mid_body(s1_ref, p1_ref, dinv_ref, b1_ref, p2_ref):
    n = dinv_ref.shape[0]
    stot = s1_ref[0, :n, 0:2] + s1_ref[1, :n, 0:2] + p1_ref[:n, 0:2]
    z = jnp.maximum(dinv_ref[...] * stot + b1_ref[...], 0.0)
    p2_ref[...] = jnp.zeros(p2_ref.shape, jnp.float32)
    p2_ref[:n, 0:2] = dinv_ref[...] * z


def _tc_final_body(s2_ref, p2_ref, dinv_ref, w2_ref, b2_ref, out_ref):
    n = dinv_ref.shape[0]
    agg = dinv_ref[...] * (
        s2_ref[0, :n, 0:2] + s2_ref[1, :n, 0:2] + p2_ref[:n, 0:2])
    y = jnp.dot(agg, w2_ref[...], preferred_element_type=jnp.float32)
    y = y + b2_ref[...]
    m = jnp.max(y, axis=-1, keepdims=True)
    e = jnp.exp(y - m)
    out_ref[...] = (y - m) - jnp.log(jnp.sum(e, axis=-1, keepdims=True))


def kernel(x, edge_index, W1, b1, W2, b2):
    n, d_in = x.shape
    e = edge_index.shape[1]
    n_pad = n + 8
    workers = _NC * _NS
    step = workers * _CHUNK * 4
    e_pad = ((e + step - 1) // step) * step
    n_chunks = e_pad // (workers * _CHUNK)

    src = edge_index[0]
    dst = edge_index[1]
    fill = (jnp.arange(e_pad - e, dtype=src.dtype) % 8) + n
    src_p = jnp.concatenate([src, fill]).reshape(workers, n_chunks, _CHUNK)
    dst_p = jnp.concatenate([dst, fill]).reshape(workers, n_chunks, _CHUNK)

    zeros_nw = jnp.zeros((n_pad, _W), jnp.float32)
    ones = jnp.ones((_CHUNK, _W), jnp.float32)

    deg_parts = _sc_degree(n_pad, n_chunks)(ones, dst_p, zeros_nw)

    p1p, dinv = pl.pallas_call(
        _tc_prep_body,
        out_shape=(jax.ShapeDtypeStruct((n_pad, _W), jnp.float32),
                   jax.ShapeDtypeStruct((n, 1), jnp.float32)),
    )(deg_parts, x, W1)

    scat = _sc_scatter(n_pad, n_chunks)
    s1 = scat(p1p, src_p, dst_p, zeros_nw)

    p2p = pl.pallas_call(
        _tc_mid_body,
        out_shape=jax.ShapeDtypeStruct((n_pad, _W), jnp.float32),
    )(s1, p1p, dinv, b1.reshape(1, 2))

    s2 = scat(p2p, src_p, dst_p, zeros_nw)

    out = pl.pallas_call(
        _tc_final_body,
        out_shape=jax.ShapeDtypeStruct((n, W2.shape[1]), jnp.float32),
    )(s2, p2p, dinv, W2, b2.reshape(1, W2.shape[1]))
    return out

# --- scband reference (transcript-rebuilt; emitter-appended) ---
"""Pipeline reference for scband-gcn-2740189135623 (READ-ONLY COPY).

The authoritative reference and input builder live on the scoring server;
editing this copy changes nothing except your own understanding.
"""

import jax, jax.numpy as jnp
import numpy as np

N = 10000
E = 320000
D_IN = 128
D_HID = 2
D_OUT = 128


def gcn_conv(x, edge_index, W, b, num_nodes):
    # linear transform first (PyG GCNConv applies lin before propagate)
    h = x @ W
    src = edge_index[0]
    dst = edge_index[1]
    # add self loops
    loop = jnp.arange(num_nodes, dtype=src.dtype)
    src = jnp.concatenate([src, loop])
    dst = jnp.concatenate([dst, loop])
    # symmetric normalization deg^{-1/2} (degree computed on target nodes)
    deg = jnp.zeros((num_nodes,), dtype=h.dtype).at[dst].add(1.0)
    dinv = jnp.where(deg > 0, 1.0 / jnp.sqrt(deg), 0.0)
    norm = dinv[src] * dinv[dst]
    # gather messages from source, scale, scatter-add into target
    msg = h[src] * norm[:, None]
    out = jnp.zeros((num_nodes, h.shape[1]), dtype=h.dtype).at[dst].add(msg)
    return out + b


def setup_inputs(seed: int = 0) -> dict:
    key = jax.random.key(seed)
    k1, k2, k3, k4, k5, k6 = jax.random.split(key, 6)
    x = jax.random.normal(k1, (N, D_IN), dtype=jnp.float32)
    edge_index = jax.random.randint(k2, (2, E), 0, N)
    W1 = jax.random.normal(k3, (D_IN, D_HID), dtype=jnp.float32) * (1.0 / np.sqrt(D_IN))
    b1 = jnp.zeros((D_HID,), dtype=jnp.float32)
    W2 = jax.random.normal(k4, (D_HID, D_OUT), dtype=jnp.float32) * (1.0 / np.sqrt(D_HID))
    b2 = jnp.zeros((D_OUT,), dtype=jnp.float32)
    return {"x": x, "edge_index": edge_index, "W1": W1, "b1": b1, "W2": W2, "b2": b2}


def reference(x, edge_index, W1, b1, W2, b2):
    h = gcn_conv(x, edge_index, W1, b1, N)
    h = jax.nn.relu(h)
    # dropout p=0.2 is identity in eval mode
    h = gcn_conv(h, edge_index, W2, b2, N)
    return jax.nn.log_softmax(h, axis=-1)

if __name__ == "__main__":
    import jax
    _d = setup_inputs()
    print(jax.jit(kernel)(*tuple(_d.values())))

</pallas_src>

<mosaic_0001>
#map = affine_map<(d0, d1) -> (0, 0)>
#map1 = affine_map<(d0, d1) -> (0, 0, 0)>
module attributes {stable_mosaic.version = 14 : i64} {
  func.func @deg_kernel(%arg0: i32, %arg1: i32, %arg2: memref<128x16xf32, #tpu.memory_space<hbm>>, %arg3: memref<32x80x128xi32, #tpu.memory_space<hbm>>, %arg4: memref<10008x16xf32, #tpu.memory_space<hbm>>, %arg5: memref<2x10008x16xf32, #tpu.memory_space<hbm>>, %arg6: memref<80x128xi32, #tpu.memory_space<vmem>>, %arg7: memref<128x16xf32, #tpu.memory_space<vmem>>, %arg8: memref<10008x16xf32, #tpu.memory_space<vmem_shared>>) attributes {dimension_semantics = [#tpu.dimension_semantics<core_parallel>, #tpu.dimension_semantics<subcore_parallel>], iteration_bounds = array<i64: 2, 16>, scalar_prefetch = 0 : i64, scratch_operands = 3 : i64, tpu.core_type = #tpu.core_type<sc_vector_subcore>, window_params = [{transform_indices = #map}, {transform_indices = #map1}, {transform_indices = #map}, {transform_indices = #map1}]} {
    %eq3A = arith.constant 0 : i32
    %eq3A_0 = arith.cmpi eq, %arg1, %eq3A : i32
    %convert_element_type3A = arith.extui %eq3A_0 : i1 to i32
    %cond3A = arith.constant 0 : i32
    %cond3A_1 = arith.cmpi ne, %convert_element_type3A, %cond3A : i32
    scf.if %cond3A_1 {
      "tpu.region"() ({
        %run_scoped3A = tpu.sem_alloc : memref<!tpu.dma_semaphore, #tpu.memory_space<semaphore_mem>>
        tpu.enqueue_dma source(%arg4 : memref<10008x16xf32, #tpu.memory_space<hbm>>) target(%arg8 : memref<10008x16xf32, #tpu.memory_space<vmem_shared>>) target_semaphore(%run_scoped3A : memref<!tpu.dma_semaphore, #tpu.memory_space<semaphore_mem>>)
        tpu.wait_dma2 semaphore(%run_scoped3A : memref<!tpu.dma_semaphore, #tpu.memory_space<semaphore_mem>>) src(%arg4 : memref<10008x16xf32, #tpu.memory_space<hbm>>) dst(%arg8 : memref<10008x16xf32, #tpu.memory_space<vmem_shared>>)
        tpu.yield
      }) : () -> ()
    } else {
    }
    %mul3A = arith.constant 16 : i32
    %mul3A_2 = arith.muli %arg0, %mul3A : i32
    %add3A = arith.addi %mul3A_2, %arg1 : i32
    "tpu.region"() ({
      %run_scoped3A = tpu.sem_alloc : memref<!tpu.dma_semaphore, #tpu.memory_space<semaphore_mem>>
      %dma_start3A = arith.constant 0 : i32
      %dma_start3A_14 = arith.constant 0 : i32
      %dma_start3A_15 = tpu.memref_slice %arg3[%add3A, %dma_start3A, %dma_start3A_14] : memref<32x80x128xi32, #tpu.memory_space<hbm>> -> memref<1x80x128xi32, #tpu.memory_space<hbm>>
      %dma_start3A_16 = tpu.memref_squeeze %dma_start3A_15 : memref<1x80x128xi32, #tpu.memory_space<hbm>> -> memref<80x128xi32, #tpu.memory_space<hbm>>
      %dma_start3A_17 = arith.constant 0 : i32
      %dma_start3A_18 = arith.constant 0 : i32
      %dma_start3A_19 = tpu.memref_slice %arg3[%add3A, %dma_start3A_17, %dma_start3A_18] : memref<32x80x128xi32, #tpu.memory_space<hbm>> -> memref<1x80x128xi32, #tpu.memory_space<hbm>>
      %dma_start3A_20 = tpu.memref_squeeze %dma_start3A_19 : memref<1x80x128xi32, #tpu.memory_space<hbm>> -> memref<80x128xi32, #tpu.memory_space<hbm>>
      tpu.enqueue_dma source(%dma_start3A_20 : memref<80x128xi32, #tpu.memory_space<hbm>>) target(%arg6 : memref<80x128xi32, #tpu.memory_space<vmem>>) target_semaphore(%run_scoped3A : memref<!tpu.dma_semaphore, #tpu.memory_space<semaphore_mem>>)
      %dma_wait3A = arith.constant 0 : i32
      %dma_wait3A_21 = arith.constant 0 : i32
      %dma_wait3A_22 = tpu.memref_slice %arg3[%add3A, %dma_wait3A, %dma_wait3A_21] : memref<32x80x128xi32, #tpu.memory_space<hbm>> -> memref<1x80x128xi32, #tpu.memory_space<hbm>>
      %dma_wait3A_23 = tpu.memref_squeeze %dma_wait3A_22 : memref<1x80x128xi32, #tpu.memory_space<hbm>> -> memref<80x128xi32, #tpu.memory_space<hbm>>
      %dma_wait3A_24 = arith.constant 0 : i32
      %dma_wait3A_25 = arith.constant 0 : i32
      %dma_wait3A_26 = tpu.memref_slice %arg3[%add3A, %dma_wait3A_24, %dma_wait3A_25] : memref<32x80x128xi32, #tpu.memory_space<hbm>> -> memref<1x80x128xi32, #tpu.memory_space<hbm>>
      %dma_wait3A_27 = tpu.memref_squeeze %dma_wait3A_26 : memref<1x80x128xi32, #tpu.memory_space<hbm>> -> memref<80x128xi32, #tpu.memory_space<hbm>>
      tpu.wait_dma2 semaphore(%run_scoped3A : memref<!tpu.dma_semaphore, #tpu.memory_space<semaphore_mem>>) src(%dma_wait3A_27 : memref<80x128xi32, #tpu.memory_space<hbm>>) dst(%arg6 : memref<80x128xi32, #tpu.memory_space<vmem>>)
      tpu.yield
    }) : () -> ()
    "tpu.region"() ({
      %run_scoped3A = tpu.sem_alloc : memref<!tpu.dma_semaphore, #tpu.memory_space<semaphore_mem>>
      tpu.enqueue_dma source(%arg2 : memref<128x16xf32, #tpu.memory_space<hbm>>) target(%arg7 : memref<128x16xf32, #tpu.memory_space<vmem>>) target_semaphore(%run_scoped3A : memref<!tpu.dma_semaphore, #tpu.memory_space<semaphore_mem>>)
      tpu.wait_dma2 semaphore(%run_scoped3A : memref<!tpu.dma_semaphore, #tpu.memory_space<semaphore_mem>>) src(%arg2 : memref<128x16xf32, #tpu.memory_space<hbm>>) dst(%arg7 : memref<128x16xf32, #tpu.memory_space<vmem>>)
      tpu.yield
    }) : () -> ()
    %barrier3A = arith.constant 0 : index
    tpu.barrier barrier_id(%barrier3A)
    %scan3A = arith.constant 0 : i32
    %scan3A_3 = arith.constant 0 : i32
    %scan3A_4 = arith.constant 80 : i32
    %scan3A_5 = arith.addi %scan3A_3, %scan3A_4 : i32
    %scan3A_6 = arith.constant 1 : i32
    scf.for %scan3A_14 = %scan3A_3 to %scan3A_5 step %scan3A_6  : i32 {
      "tpu.region"() ({
        %run_scoped3A = tpu.sem_alloc : memref<!tpu.dma_semaphore, #tpu.memory_space<semaphore_mem>>
        %dma_start3A = arith.constant 0 : i32
        %dma_start3A_15 = tpu.memref_slice %arg6[%scan3A_14, %dma_start3A] : memref<80x128xi32, #tpu.memory_space<vmem>> -> memref<1x128xi32, #tpu.memory_space<vmem>>
        %dma_start3A_16 = tpu.memref_squeeze %dma_start3A_15 : memref<1x128xi32, #tpu.memory_space<vmem>> -> memref<128xi32, #tpu.memory_space<vmem>>
        %dma_start3A_17 = arith.constant 0 : i32
        %dma_start3A_18 = arith.constant 0 : i32
        %dma_start3A_19 = tpu.memref_slice %arg8[%dma_start3A_17, %dma_start3A_18] : memref<10008x16xf32, #tpu.memory_space<vmem_shared>> -> memref<10008x16xf32, #tpu.memory_space<vmem_shared>>
        tpu.enqueue_indirect_dma source(%arg7 : memref<128x16xf32, #tpu.memory_space<vmem>>) target(%dma_start3A_19 : memref<10008x16xf32, #tpu.memory_space<vmem_shared>>) offsets(%dma_start3A_16 : memref<128xi32, #tpu.memory_space<vmem>>) semaphore(%run_scoped3A : memref<!tpu.dma_semaphore, #tpu.memory_space<semaphore_mem>>) {add = true}
        %dma_wait3A = arith.constant 0 : i32
        %dma_wait3A_20 = tpu.memref_slice %arg6[%scan3A_14, %dma_wait3A] : memref<80x128xi32, #tpu.memory_space<vmem>> -> memref<1x128xi32, #tpu.memory_space<vmem>>
        %dma_wait3A_21 = tpu.memref_squeeze %dma_wait3A_20 : memref<1x128xi32, #tpu.memory_space<vmem>> -> memref<128xi32, #tpu.memory_space<vmem>>
        %dma_wait3A_22 = arith.constant 0 : i32
        %dma_wait3A_23 = arith.constant 0 : i32
        %dma_wait3A_24 = tpu.memref_slice %arg8[%dma_wait3A_22, %dma_wait3A_23] : memref<10008x16xf32, #tpu.memory_space<vmem_shared>> -> memref<10008x16xf32, #tpu.memory_space<vmem_shared>>
        tpu.wait_indirect_dma semaphore(%run_scoped3A : memref<!tpu.dma_semaphore, #tpu.memory_space<semaphore_mem>>) src(%arg7 : memref<128x16xf32, #tpu.memory_space<vmem>>) dst(%dma_wait3A_24 : memref<10008x16xf32, #tpu.memory_space<vmem_shared>>)
        tpu.yield
      }) : () -> ()
    }
    %scan3A_7 = arith.constant 80 : i32
    %barrier3A_8 = arith.constant 0 : index
    tpu.barrier barrier_id(%barrier3A_8)
    %eq3A_9 = arith.constant 0 : i32
    %eq3A_10 = arith.cmpi eq, %arg1, %eq3A_9 : i32
    %convert_element_type3A_11 = arith.extui %eq3A_10 : i1 to i32
    %cond3A_12 = arith.constant 0 : i32
    %cond3A_13 = arith.cmpi ne, %convert_element_type3A_11, %cond3A_12 : i32
    scf.if %cond3A_13 {
      "tpu.region"() ({
        %run_scoped3A = tpu.sem_alloc : memref<!tpu.dma_semaphore, #tpu.memory_space<semaphore_mem>>
        %dma_start3A = arith.constant 0 : i32
        %dma_start3A_14 = arith.constant 0 : i32
        %dma_start3A_15 = tpu.memref_slice %arg5[%arg0, %dma_start3A, %dma_start3A_14] : memref<2x10008x16xf32, #tpu.memory_space<hbm>> -> memref<1x10008x16xf32, #tpu.memory_space<hbm>>
        %dma_start3A_16 = tpu.memref_squeeze %dma_start3A_15 : memref<1x10008x16xf32, #tpu.memory_space<hbm>> -> memref<10008x16xf32, #tpu.memory_space<hbm>>
        tpu.enqueue_dma source(%arg8 : memref<10008x16xf32, #tpu.memory_space<vmem_shared>>) target(%dma_start3A_16 : memref<10008x16xf32, #tpu.memory_space<hbm>>) target_semaphore(%run_scoped3A : memref<!tpu.dma_semaphore, #tpu.memory_space<semaphore_mem>>)
        %dma_wait3A = arith.constant 0 : i32
        %dma_wait3A_17 = arith.constant 0 : i32
        %dma_wait3A_18 = tpu.memref_slice %arg5[%arg0, %dma_wait3A, %dma_wait3A_17] : memref<2x10008x16xf32, #tpu.memory_space<hbm>> -> memref<1x10008x16xf32, #tpu.memory_space<hbm>>
        %dma_wait3A_19 = tpu.memref_squeeze %dma_wait3A_18 : memref<1x10008x16xf32, #tpu.memory_space<hbm>> -> memref<10008x16xf32, #tpu.memory_space<hbm>>
        tpu.wait_dma2 semaphore(%run_scoped3A : memref<!tpu.dma_semaphore, #tpu.memory_space<semaphore_mem>>) src(%arg8 : memref<10008x16xf32, #tpu.memory_space<vmem_shared>>) dst(%dma_wait3A_19 : memref<10008x16xf32, #tpu.memory_space<hbm>>)
        tpu.yield
      }) : () -> ()
    } else {
    }
    return
  }
}

#map = affine_map<(d0, d1) -> (0, 0)>
#map1 = affine_map<(d0, d1) -> (0, 0, 0)>
module attributes {stable_mosaic.version = 14 : i64} {
  func.func @scat_kernel(%arg0: i32, %arg1: i32, %arg2: memref<10008x16xf32, #tpu.memory_space<hbm>>, %arg3: memref<32x80x128xi32, #tpu.memory_space<hbm>>, %arg4: memref<32x80x128xi32, #tpu.memory_space<hbm>>, %arg5: memref<10008x16xf32, #tpu.memory_space<hbm>>, %arg6: memref<2x10008x16xf32, #tpu.memory_space<hbm>>, %arg7: memref<80x128xi32, #tpu.memory_space<vmem>>, %arg8: memref<80x128xi32, #tpu.memory_space<vmem>>, %arg9: memref<128x16xf32, #tpu.memory_space<vmem>>, %arg10: memref<128x16xf32, #tpu.memory_space<vmem>>, %arg11: memref<128x16xf32, #tpu.memory_space<vmem>>, %arg12: memref<128x16xf32, #tpu.memory_space<vmem>>, %arg13: memref<128x16xf32, #tpu.memory_space<vmem>>, %arg14: memref<128x16xf32, #tpu.memory_space<vmem>>, %arg15: memref<128x16xf32, #tpu.memory_space<vmem>>, %arg16: memref<128x16xf32, #tpu.memory_space<vmem>>, %arg17: memref<!tpu.dma_semaphore, #tpu.memory_space<semaphore_mem>>, %arg18: memref<!tpu.dma_semaphore, #tpu.memory_space<semaphore_mem>>, %arg19: memref<!tpu.dma_semaphore, #tpu.memory_space<semaphore_mem>>, %arg20: memref<!tpu.dma_semaphore, #tpu.memory_space<semaphore_mem>>, %arg21: memref<!tpu.dma_semaphore, #tpu.memory_space<semaphore_mem>>, %arg22: memref<!tpu.dma_semaphore, #tpu.memory_space<semaphore_mem>>, %arg23: memref<!tpu.dma_semaphore, #tpu.memory_space<semaphore_mem>>, %arg24: memref<!tpu.dma_semaphore, #tpu.memory_space<semaphore_mem>>, %arg25: memref<10008x16xf32, #tpu.memory_space<vmem_shared>>, %arg26: memref<10008x16xf32, #tpu.memory_space<vmem_shared>>) attributes {dimension_semantics = [#tpu.dimension_semantics<core_parallel>, #tpu.dimension_semantics<subcore_parallel>], iteration_bounds = array<i64: 2, 16>, scalar_prefetch = 0 : i64, scratch_operands = 20 : i64, tpu.core_type = #tpu.core_type<sc_vector_subcore>, window_params = [{transform_indices = #map}, {transform_indices = #map1}, {transform_indices = #map1}, {transform_indices = #map}, {transform_indices = #map1}]} {
    %eq3A = arith.constant 0 : i32
    %eq3A_0 = arith.cmpi eq, %arg1, %eq3A : i32
    %convert_element_type3A = arith.extui %eq3A_0 : i1 to i32
    %cond3A = arith.constant 0 : i32
    %cond3A_1 = arith.cmpi ne, %convert_element_type3A, %cond3A : i32
    scf.if %cond3A_1 {
      "tpu.region"() ({
        %run_scoped3A = tpu.sem_alloc : memref<!tpu.dma_semaphore, #tpu.memory_space<semaphore_mem>>
        tpu.enqueue_dma source(%arg5 : memref<10008x16xf32, #tpu.memory_space<hbm>>) target(%arg25 : memref<10008x16xf32, #tpu.memory_space<vmem_shared>>) target_semaphore(%run_scoped3A : memref<!tpu.dma_semaphore, #tpu.memory_space<semaphore_mem>>)
        tpu.wait_dma2 semaphore(%run_scoped3A : memref<!tpu.dma_semaphore, #tpu.memory_space<semaphore_mem>>) src(%arg5 : memref<10008x16xf32, #tpu.memory_space<hbm>>) dst(%arg25 : memref<10008x16xf32, #tpu.memory_space<vmem_shared>>)
        tpu.yield
      }) : () -> ()
    } else {
    }
    %eq3A_2 = arith.constant 1 : i32
    %eq3A_3 = arith.cmpi eq, %arg1, %eq3A_2 : i32
    %convert_element_type3A_4 = arith.extui %eq3A_3 : i1 to i32
    %cond3A_5 = arith.constant 0 : i32
    %cond3A_6 = arith.cmpi ne, %convert_element_type3A_4, %cond3A_5 : i32
    scf.if %cond3A_6 {
      "tpu.region"() ({
        %run_scoped3A = tpu.sem_alloc : memref<!tpu.dma_semaphore, #tpu.memory_space<semaphore_mem>>
        tpu.enqueue_dma source(%arg2 : memref<10008x16xf32, #tpu.memory_space<hbm>>) target(%arg26 : memref<10008x16xf32, #tpu.memory_space<vmem_shared>>) target_semaphore(%run_scoped3A : memref<!tpu.dma_semaphore, #tpu.memory_space<semaphore_mem>>)
        tpu.wait_dma2 semaphore(%run_scoped3A : memref<!tpu.dma_semaphore, #tpu.memory_space<semaphore_mem>>) src(%arg2 : memref<10008x16xf32, #tpu.memory_space<hbm>>) dst(%arg26 : memref<10008x16xf32, #tpu.memory_space<vmem_shared>>)
        tpu.yield
      }) : () -> ()
    } else {
    }
    %mul3A = arith.constant 16 : i32
    %mul3A_7 = arith.muli %arg0, %mul3A : i32
    %add3A = arith.addi %mul3A_7, %arg1 : i32
    "tpu.region"() ({
      %run_scoped3A = tpu.sem_alloc : memref<!tpu.dma_semaphore, #tpu.memory_space<semaphore_mem>>
      %dma_start3A_74 = arith.constant 0 : i32
      %dma_start3A_75 = arith.constant 0 : i32
      %dma_start3A_76 = tpu.memref_slice %arg3[%add3A, %dma_start3A_74, %dma_start3A_75] : memref<32x80x128xi32, #tpu.memory_space<hbm>> -> memref<1x80x128xi32, #tpu.memory_space<hbm>>
      %dma_start3A_77 = tpu.memref_squeeze %dma_start3A_76 : memref<1x80x128xi32, #tpu.memory_space<hbm>> -> memref<80x128xi32, #tpu.memory_space<hbm>>
      %dma_start3A_78 = arith.constant 0 : i32
      %dma_start3A_79 = arith.constant 0 : i32
      %dma_start3A_80 = tpu.memref_slice %arg3[%add3A, %dma_start3A_78, %dma_start3A_79] : memref<32x80x128xi32, #tpu.memory_space<hbm>> -> memref<1x80x128xi32, #tpu.memory_space<hbm>>
      %dma_start3A_81 = tpu.memref_squeeze %dma_start3A_80 : memref<1x80x128xi32, #tpu.memory_space<hbm>> -> memref<80x128xi32, #tpu.memory_space<hbm>>
      tpu.enqueue_dma source(%dma_start3A_81 : memref<80x128xi32, #tpu.memory_space<hbm>>) target(%arg7 : memref<80x128xi32, #tpu.memory_space<vmem>>) target_semaphore(%run_scoped3A : memref<!tpu.dma_semaphore, #tpu.memory_space<semaphore_mem>>)
      %dma_wait3A = arith.constant 0 : i32
      %dma_wait3A_82 = arith.constant 0 : i32
      %dma_wait3A_83 = tpu.memref_slice %arg3[%add3A, %dma_wait3A, %dma_wait3A_82] : memref<32x80x128xi32, #tpu.memory_space<hbm>> -> memref<1x80x128xi32, #tpu.memory_space<hbm>>
      %dma_wait3A_84 = tpu.memref_squeeze %dma_wait3A_83 : memref<1x80x128xi32, #tpu.memory_space<hbm>> -> memref<80x128xi32, #tpu.memory_space<hbm>>
      %dma_wait3A_85 = arith.constant 0 : i32
      %dma_wait3A_86 = arith.constant 0 : i32
      %dma_wait3A_87 = tpu.memref_slice %arg3[%add3A, %dma_wait3A_85, %dma_wait3A_86] : memref<32x80x128xi32, #tpu.memory_space<hbm>> -> memref<1x80x128xi32, #tpu.memory_space<hbm>>
      %dma_wait3A_88 = tpu.memref_squeeze %dma_wait3A_87 : memref<1x80x128xi32, #tpu.memory_space<hbm>> -> memref<80x128xi32, #tpu.memory_space<hbm>>
      tpu.wait_dma2 semaphore(%run_scoped3A : memref<!tpu.dma_semaphore, #tpu.memory_space<semaphore_mem>>) src(%dma_wait3A_88 : memref<80x128xi32, #tpu.memory_space<hbm>>) dst(%arg7 : memref<80x128xi32, #tpu.memory_space<vmem>>)
      tpu.yield
    }) : () -> ()
    "tpu.region"() ({
      %run_scoped3A = tpu.sem_alloc : memref<!tpu.dma_semaphore, #tpu.memory_space<semaphore_mem>>
      %dma_start3A_74 = arith.constant 0 : i32
      %dma_start3A_75 = arith.constant 0 : i32
      %dma_start3A_76 = tpu.memref_slice %arg4[%add3A, %dma_start3A_74, %dma_start3A_75] : memref<32x80x128xi32, #tpu.memory_space<hbm>> -> memref<1x80x128xi32, #tpu.memory_space<hbm>>
      %dma_start3A_77 = tpu.memref_squeeze %dma_start3A_76 : memref<1x80x128xi32, #tpu.memory_space<hbm>> -> memref<80x128xi32, #tpu.memory_space<hbm>>
      %dma_start3A_78 = arith.constant 0 : i32
      %dma_start3A_79 = arith.constant 0 : i32
      %dma_start3A_80 = tpu.memref_slice %arg4[%add3A, %dma_start3A_78, %dma_start3A_79] : memref<32x80x128xi32, #tpu.memory_space<hbm>> -> memref<1x80x128xi32, #tpu.memory_space<hbm>>
      %dma_start3A_81 = tpu.memref_squeeze %dma_start3A_80 : memref<1x80x128xi32, #tpu.memory_space<hbm>> -> memref<80x128xi32, #tpu.memory_space<hbm>>
      tpu.enqueue_dma source(%dma_start3A_81 : memref<80x128xi32, #tpu.memory_space<hbm>>) target(%arg8 : memref<80x128xi32, #tpu.memory_space<vmem>>) target_semaphore(%run_scoped3A : memref<!tpu.dma_semaphore, #tpu.memory_space<semaphore_mem>>)
      %dma_wait3A = arith.constant 0 : i32
      %dma_wait3A_82 = arith.constant 0 : i32
      %dma_wait3A_83 = tpu.memref_slice %arg4[%add3A, %dma_wait3A, %dma_wait3A_82] : memref<32x80x128xi32, #tpu.memory_space<hbm>> -> memref<1x80x128xi32, #tpu.memory_space<hbm>>
      %dma_wait3A_84 = tpu.memref_squeeze %dma_wait3A_83 : memref<1x80x128xi32, #tpu.memory_space<hbm>> -> memref<80x128xi32, #tpu.memory_space<hbm>>
      %dma_wait3A_85 = arith.constant 0 : i32
      %dma_wait3A_86 = arith.constant 0 : i32
      %dma_wait3A_87 = tpu.memref_slice %arg4[%add3A, %dma_wait3A_85, %dma_wait3A_86] : memref<32x80x128xi32, #tpu.memory_space<hbm>> -> memref<1x80x128xi32, #tpu.memory_space<hbm>>
      %dma_wait3A_88 = tpu.memref_squeeze %dma_wait3A_87 : memref<1x80x128xi32, #tpu.memory_space<hbm>> -> memref<80x128xi32, #tpu.memory_space<hbm>>
      tpu.wait_dma2 semaphore(%run_scoped3A : memref<!tpu.dma_semaphore, #tpu.memory_space<semaphore_mem>>) src(%dma_wait3A_88 : memref<80x128xi32, #tpu.memory_space<hbm>>) dst(%arg8 : memref<80x128xi32, #tpu.memory_space<vmem>>)
      tpu.yield
    }) : () -> ()
    %barrier3A = arith.constant 0 : index
    tpu.barrier barrier_id(%barrier3A)
    %dma_start3A = arith.constant 0 : i32
    %dma_start3A_8 = arith.constant 0 : i32
    %dma_start3A_9 = tpu.memref_slice %arg7[%dma_start3A, %dma_start3A_8] : memref<80x128xi32, #tpu.memory_space<vmem>> -> memref<1x128xi32, #tpu.memory_space<vmem>>
    %dma_start3A_10 = tpu.memref_squeeze %dma_start3A_9 : memref<1x128xi32, #tpu.memory_space<vmem>> -> memref<128xi32, #tpu.memory_space<vmem>>
    %dma_start3A_11 = arith.constant 0 : i32
    %dma_start3A_12 = arith.constant 0 : i32
    %dma_start3A_13 = tpu.memref_slice %arg26[%dma_start3A_11, %dma_start3A_12] : memref<10008x16xf32, #tpu.memory_space<vmem_shared>> -> memref<10008x16xf32, #tpu.memory_space<vmem_shared>>
    tpu.enqueue_indirect_dma source(%dma_start3A_13 : memref<10008x16xf32, #tpu.memory_space<vmem_shared>>) target(%arg9 : memref<128x16xf32, #tpu.memory_space<vmem>>) offsets(%dma_start3A_10 : memref<128xi32, #tpu.memory_space<vmem>>) semaphore(%arg17 : memref<!tpu.dma_semaphore, #tpu.memory_space<semaphore_mem>>)
    %dma_start3A_14 = arith.constant 1 : i32
    %dma_start3A_15 = arith.constant 0 : i32
    %dma_start3A_16 = tpu.memref_slice %arg7[%dma_start3A_14, %dma_start3A_15] : memref<80x128xi32, #tpu.memory_space<vmem>> -> memref<1x128xi32, #tpu.memory_space<vmem>>
    %dma_start3A_17 = tpu.memref_squeeze %dma_start3A_16 : memref<1x128xi32, #tpu.memory_space<vmem>> -> memref<128xi32, #tpu.memory_space<vmem>>
    %dma_start3A_18 = arith.constant 0 : i32
    %dma_start3A_19 = arith.constant 0 : i32
    %dma_start3A_20 = tpu.memref_slice %arg26[%dma_start3A_18, %dma_start3A_19] : memref<10008x16xf32, #tpu.memory_space<vmem_shared>> -> memref<10008x16xf32, #tpu.memory_space<vmem_shared>>
    tpu.enqueue_indirect_dma source(%dma_start3A_20 : memref<10008x16xf32, #tpu.memory_space<vmem_shared>>) target(%arg10 : memref<128x16xf32, #tpu.memory_space<vmem>>) offsets(%dma_start3A_17 : memref<128xi32, #tpu.memory_space<vmem>>) semaphore(%arg18 : memref<!tpu.dma_semaphore, #tpu.memory_space<semaphore_mem>>)
    %dma_start3A_21 = arith.constant 2 : i32
    %dma_start3A_22 = arith.constant 0 : i32
    %dma_start3A_23 = tpu.memref_slice %arg7[%dma_start3A_21, %dma_start3A_22] : memref<80x128xi32, #tpu.memory_space<vmem>> -> memref<1x128xi32, #tpu.memory_space<vmem>>
    %dma_start3A_24 = tpu.memref_squeeze %dma_start3A_23 : memref<1x128xi32, #tpu.memory_space<vmem>> -> memref<128xi32, #tpu.memory_space<vmem>>
    %dma_start3A_25 = arith.constant 0 : i32
    %dma_start3A_26 = arith.constant 0 : i32
    %dma_start3A_27 = tpu.memref_slice %arg26[%dma_start3A_25, %dma_start3A_26] : memref<10008x16xf32, #tpu.memory_space<vmem_shared>> -> memref<10008x16xf32, #tpu.memory_space<vmem_shared>>
    tpu.enqueue_indirect_dma source(%dma_start3A_27 : memref<10008x16xf32, #tpu.memory_space<vmem_shared>>) target(%arg11 : memref<128x16xf32, #tpu.memory_space<vmem>>) offsets(%dma_start3A_24 : memref<128xi32, #tpu.memory_space<vmem>>) semaphore(%arg19 : memref<!tpu.dma_semaphore, #tpu.memory_space<semaphore_mem>>)
    %dma_start3A_28 = arith.constant 3 : i32
    %dma_start3A_29 = arith.constant 0 : i32
    %dma_start3A_30 = tpu.memref_slice %arg7[%dma_start3A_28, %dma_start3A_29] : memref<80x128xi32, #tpu.memory_space<vmem>> -> memref<1x128xi32, #tpu.memory_space<vmem>>
    %dma_start3A_31 = tpu.memref_squeeze %dma_start3A_30 : memref<1x128xi32, #tpu.memory_space<vmem>> -> memref<128xi32, #tpu.memory_space<vmem>>
    %dma_start3A_32 = arith.constant 0 : i32
    %dma_start3A_33 = arith.constant 0 : i32
    %dma_start3A_34 = tpu.memref_slice %arg26[%dma_start3A_32, %dma_start3A_33] : memref<10008x16xf32, #tpu.memory_space<vmem_shared>> -> memref<10008x16xf32, #tpu.memory_space<vmem_shared>>
    tpu.enqueue_indirect_dma source(%dma_start3A_34 : memref<10008x16xf32, #tpu.memory_space<vmem_shared>>) target(%arg12 : memref<128x16xf32, #tpu.memory_space<vmem>>) offsets(%dma_start3A_31 : memref<128xi32, #tpu.memory_space<vmem>>) semaphore(%arg20 : memref<!tpu.dma_semaphore, #tpu.memory_space<semaphore_mem>>)
    %dma_start3A_35 = arith.constant 4 : i32
    %dma_start3A_36 = arith.constant 0 : i32
    %dma_start3A_37 = tpu.memref_slice %arg7[%dma_start3A_35, %dma_start3A_36] : memref<80x128xi32, #tpu.memory_space<vmem>> -> memref<1x128xi32, #tpu.memory_space<vmem>>
    %dma_start3A_38 = tpu.memref_squeeze %dma_start3A_37 : memref<1x128xi32, #tpu.memory_space<vmem>> -> memref<128xi32, #tpu.memory_space<vmem>>
    %dma_start3A_39 = arith.constant 0 : i32
    %dma_start3A_40 = arith.constant 0 : i32
    %dma_start3A_41 = tpu.memref_slice %arg26[%dma_start3A_39, %dma_start3A_40] : memref<10008x16xf32, #tpu.memory_space<vmem_shared>> -> memref<10008x16xf32, #tpu.memory_space<vmem_shared>>
    tpu.enqueue_indirect_dma source(%dma_start3A_41 : memref<10008x16xf32, #tpu.memory_space<vmem_shared>>) target(%arg13 : memref<128x16xf32, #tpu.memory_space<vmem>>) offsets(%dma_start3A_38 : memref<128xi32, #tpu.memory_space<vmem>>) semaphore(%arg21 : memref<!tpu.dma_semaphore, #tpu.memory_space<semaphore_mem>>)
    %dma_start3A_42 = arith.constant 5 : i32
    %dma_start3A_43 = arith.constant 0 : i32
    %dma_start3A_44 = tpu.memref_slice %arg7[%dma_start3A_42, %dma_start3A_43] : memref<80x128xi32, #tpu.memory_space<vmem>> -> memref<1x128xi32, #tpu.memory_space<vmem>>
    %dma_start3A_45 = tpu.memref_squeeze %dma_start3A_44 : memref<1x128xi32, #tpu.memory_space<vmem>> -> memref<128xi32, #tpu.memory_space<vmem>>
    %dma_start3A_46 = arith.constant 0 : i32
    %dma_start3A_47 = arith.constant 0 : i32
    %dma_start3A_48 = tpu.memref_slice %arg26[%dma_start3A_46, %dma_start3A_47] : memref<10008x16xf32, #tpu.memory_space<vmem_shared>> -> memref<10008x16xf32, #tpu.memory_space<vmem_shared>>
    tpu.enqueue_indirect_dma source(%dma_start3A_48 : memref<10008x16xf32, #tpu.memory_space<vmem_shared>>) target(%arg14 : memref<128x16xf32, #tpu.memory_space<vmem>>) offsets(%dma_start3A_45 : memref<128xi32, #tpu.memory_space<vmem>>) semaphore(%arg22 : memref<!tpu.dma_semaphore, #tpu.memory_space<semaphore_mem>>)
    %dma_start3A_49 = arith.constant 6 : i32
    %dma_start3A_50 = arith.constant 0 : i32
    %dma_start3A_51 = tpu.memref_slice %arg7[%dma_start3A_49, %dma_start3A_50] : memref<80x128xi32, #tpu.memory_space<vmem>> -> memref<1x128xi32, #tpu.memory_space<vmem>>
    %dma_start3A_52 = tpu.memref_squeeze %dma_start3A_51 : memref<1x128xi32, #tpu.memory_space<vmem>> -> memref<128xi32, #tpu.memory_space<vmem>>
    %dma_start3A_53 = arith.constant 0 : i32
    %dma_start3A_54 = arith.constant 0 : i32
    %dma_start3A_55 = tpu.memref_slice %arg26[%dma_start3A_53, %dma_start3A_54] : memref<10008x16xf32, #tpu.memory_space<vmem_shared>> -> memref<10008x16xf32, #tpu.memory_space<vmem_shared>>
    tpu.enqueue_indirect_dma source(%dma_start3A_55 : memref<10008x16xf32, #tpu.memory_space<vmem_shared>>) target(%arg15 : memref<128x16xf32, #tpu.memory_space<vmem>>) offsets(%dma_start3A_52 : memref<128xi32, #tpu.memory_space<vmem>>) semaphore(%arg23 : memref<!tpu.dma_semaphore, #tpu.memory_space<semaphore_mem>>)
    %dma_start3A_56 = arith.constant 7 : i32
    %dma_start3A_57 = arith.constant 0 : i32
    %dma_start3A_58 = tpu.memref_slice %arg7[%dma_start3A_56, %dma_start3A_57] : memref<80x128xi32, #tpu.memory_space<vmem>> -> memref<1x128xi32, #tpu.memory_space<vmem>>
    %dma_start3A_59 = tpu.memref_squeeze %dma_start3A_58 : memref<1x128xi32, #tpu.memory_space<vmem>> -> memref<128xi32, #tpu.memory_space<vmem>>
    %dma_start3A_60 = arith.constant 0 : i32
    %dma_start3A_61 = arith.constant 0 : i32
    %dma_start3A_62 = tpu.memref_slice %arg26[%dma_start3A_60, %dma_start3A_61] : memref<10008x16xf32, #tpu.memory_space<vmem_shared>> -> memref<10008x16xf32, #tpu.memory_space<vmem_shared>>
    tpu.enqueue_indirect_dma source(%dma_start3A_62 : memref<10008x16xf32, #tpu.memory_space<vmem_shared>>) target(%arg16 : memref<128x16xf32, #tpu.memory_space<vmem>>) offsets(%dma_start3A_59 : memref<128xi32, #tpu.memory_space<vmem>>) semaphore(%arg24 : memref<!tpu.dma_semaphore, #tpu.memory_space<semaphore_mem>>)
    %scan3A = arith.constant 0 : i32
    %scan3A_63 = arith.constant 0 : i32
    %scan3A_64 = arith.constant 10 : i32
    %scan3A_65 = arith.addi %scan3A_63, %scan3A_64 : i32
    %scan3A_66 = arith.constant 1 : i32
    scf.for %scan3A_74 = %scan3A_63 to %scan3A_65 step %scan3A_66  : i32 {
      %mul3A_75 = arith.constant 8 : i32
      %mul3A_76 = arith.muli %scan3A_74, %mul3A_75 : i32
      %add3A_77 = arith.constant 0 : i32
      %add3A_78 = arith.addi %mul3A_76, %add3A_77 : i32
      %dma_wait3A = arith.constant 0 : i32
      %dma_wait3A_79 = tpu.memref_slice %arg7[%add3A_78, %dma_wait3A] : memref<80x128xi32, #tpu.memory_space<vmem>> -> memref<1x128xi32, #tpu.memory_space<vmem>>
      %dma_wait3A_80 = tpu.memref_squeeze %dma_wait3A_79 : memref<1x128xi32, #tpu.memory_space<vmem>> -> memref<128xi32, #tpu.memory_space<vmem>>
      %dma_wait3A_81 = arith.constant 0 : i32
      %dma_wait3A_82 = arith.constant 0 : i32
      %dma_wait3A_83 = tpu.memref_slice %arg26[%dma_wait3A_81, %dma_wait3A_82] : memref<10008x16xf32, #tpu.memory_space<vmem_shared>> -> memref<10008x16xf32, #tpu.memory_space<vmem_shared>>
      tpu.wait_indirect_dma semaphore(%arg17 : memref<!tpu.dma_semaphore, #tpu.memory_space<semaphore_mem>>) src(%dma_wait3A_83 : memref<10008x16xf32, #tpu.memory_space<vmem_shared>>) dst(%arg9 : memref<128x16xf32, #tpu.memory_space<vmem>>)
      "tpu.region"() ({
        %run_scoped3A = tpu.sem_alloc : memref<!tpu.dma_semaphore, #tpu.memory_space<semaphore_mem>>
        %dma_start3A_195 = arith.constant 0 : i32
        %dma_start3A_196 = tpu.memref_slice %arg8[%add3A_78, %dma_start3A_195] : memref<80x128xi32, #tpu.memory_space<vmem>> -> memref<1x128xi32, #tpu.memory_space<vmem>>
        %dma_start3A_197 = tpu.memref_squeeze %dma_start3A_196 : memref<1x128xi32, #tpu.memory_space<vmem>> -> memref<128xi32, #tpu.memory_space<vmem>>
        %dma_start3A_198 = arith.constant 0 : i32
        %dma_start3A_199 = arith.constant 0 : i32
        %dma_start3A_200 = tpu.memref_slice %arg25[%dma_start3A_198, %dma_start3A_199] : memref<10008x16xf32, #tpu.memory_space<vmem_shared>> -> memref<10008x16xf32, #tpu.memory_space<vmem_shared>>
        tpu.enqueue_indirect_dma source(%arg9 : memref<128x16xf32, #tpu.memory_space<vmem>>) target(%dma_start3A_200 : memref<10008x16xf32, #tpu.memory_space<vmem_shared>>) offsets(%dma_start3A_197 : memref<128xi32, #tpu.memory_space<vmem>>) semaphore(%run_scoped3A : memref<!tpu.dma_semaphore, #tpu.memory_space<semaphore_mem>>) {add = true}
        %dma_wait3A_201 = arith.constant 0 : i32
        %dma_wait3A_202 = tpu.memref_slice %arg8[%add3A_78, %dma_wait3A_201] : memref<80x128xi32, #tpu.memory_space<vmem>> -> memref<1x128xi32, #tpu.memory_space<vmem>>
        %dma_wait3A_203 = tpu.memref_squeeze %dma_wait3A_202 : memref<1x128xi32, #tpu.memory_space<vmem>> -> memref<128xi32, #tpu.memory_space<vmem>>
        %dma_wait3A_204 = arith.constant 0 : i32
        %dma_wait3A_205 = arith.constant 0 : i32
        %dma_wait3A_206 = tpu.memref_slice %arg25[%dma_wait3A_204, %dma_wait3A_205] : memref<10008x16xf32, #tpu.memory_space<vmem_shared>> -> memref<10008x16xf32, #tpu.memory_space<vmem_shared>>
        tpu.wait_indirect_dma semaphore(%run_scoped3A : memref<!tpu.dma_semaphore, #tpu.memory_space<semaphore_mem>>) src(%arg9 : memref<128x16xf32, #tpu.memory_space<vmem>>) dst(%dma_wait3A_206 : memref<10008x16xf32, #tpu.memory_space<vmem_shared>>)
        tpu.yield
      }) : () -> ()
      %add3A_84 = arith.constant 8 : i32
      %add3A_85 = arith.addi %add3A_78, %add3A_84 : i32
      %lt3A = arith.constant 80 : i32
      %lt3A_86 = arith.cmpi slt, %add3A_85, %lt3A : i32
      %convert_element_type3A_87 = arith.extui %lt3A_86 : i1 to i32
      %cond3A_88 = arith.constant 0 : i32
      %cond3A_89 = arith.cmpi ne, %convert_element_type3A_87, %cond3A_88 : i32
      scf.if %cond3A_89 {
        %add3A_195 = arith.constant 8 : i32
        %add3A_196 = arith.addi %add3A_78, %add3A_195 : i32
        %dma_start3A_197 = arith.constant 0 : i32
        %dma_start3A_198 = tpu.memref_slice %arg7[%add3A_196, %dma_start3A_197] : memref<80x128xi32, #tpu.memory_space<vmem>> -> memref<1x128xi32, #tpu.memory_space<vmem>>
        %dma_start3A_199 = tpu.memref_squeeze %dma_start3A_198 : memref<1x128xi32, #tpu.memory_space<vmem>> -> memref<128xi32, #tpu.memory_space<vmem>>
        %dma_start3A_200 = arith.constant 0 : i32
        %dma_start3A_201 = arith.constant 0 : i32
        %dma_start3A_202 = tpu.memref_slice %arg26[%dma_start3A_200, %dma_start3A_201] : memref<10008x16xf32, #tpu.memory_space<vmem_shared>> -> memref<10008x16xf32, #tpu.memory_space<vmem_shared>>
        tpu.enqueue_indirect_dma source(%dma_start3A_202 : memref<10008x16xf32, #tpu.memory_space<vmem_shared>>) target(%arg9 : memref<128x16xf32, #tpu.memory_space<vmem>>) offsets(%dma_start3A_199 : memref<128xi32, #tpu.memory_space<vmem>>) semaphore(%arg17 : memref<!tpu.dma_semaphore, #tpu.memory_space<semaphore_mem>>)
      } else {
      }
      %add3A_90 = arith.constant 1 : i32
      %add3A_91 = arith.addi %mul3A_76, %add3A_90 : i32
      %dma_wait3A_92 = arith.constant 0 : i32
      %dma_wait3A_93 = tpu.memref_slice %arg7[%add3A_91, %dma_wait3A_92] : memref<80x128xi32, #tpu.memory_space<vmem>> -> memref<1x128xi32, #tpu.memory_space<vmem>>
      %dma_wait3A_94 = tpu.memref_squeeze %dma_wait3A_93 : memref<1x128xi32, #tpu.memory_space<vmem>> -> memref<128xi32, #tpu.memory_space<vmem>>
      %dma_wait3A_95 = arith.constant 0 : i32
      %dma_wait3A_96 = arith.constant 0 : i32
      %dma_wait3A_97 = tpu.memref_slice %arg26[%dma_wait3A_95, %dma_wait3A_96] : memref<10008x16xf32, #tpu.memory_space<vmem_shared>> -> memref<10008x16xf32, #tpu.memory_space<vmem_shared>>
      tpu.wait_indirect_dma semaphore(%arg18 : memref<!tpu.dma_semaphore, #tpu.memory_space<semaphore_mem>>) src(%dma_wait3A_97 : memref<10008x16xf32, #tpu.memory_space<vmem_shared>>) dst(%arg10 : memref<128x16xf32, #tpu.memory_space<vmem>>)
      "tpu.region"() ({
        %run_scoped3A = tpu.sem_alloc : memref<!tpu.dma_semaphore, #tpu.memory_space<semaphore_mem>>
        %dma_start3A_195 = arith.constant 0 : i32
        %dma_start3A_196 = tpu.memref_slice %arg8[%add3A_91, %dma_start3A_195] : memref<80x128xi32, #tpu.memory_space<vmem>> -> memref<1x128xi32, #tpu.memory_space<vmem>>
        %dma_start3A_197 = tpu.memref_squeeze %dma_start3A_196 : memref<1x128xi32, #tpu.memory_space<vmem>> -> memref<128xi32, #tpu.memory_space<vmem>>
        %dma_start3A_198 = arith.constant 0 : i32
        %dma_start3A_199 = arith.constant 0 : i32
        %dma_start3A_200 = tpu.memref_slice %arg25[%dma_start3A_198, %dma_start3A_199] : memref<10008x16xf32, #tpu.memory_space<vmem_shared>> -> memref<10008x16xf32, #tpu.memory_space<vmem_shared>>
        tpu.enqueue_indirect_dma source(%arg10 : memref<128x16xf32, #tpu.memory_space<vmem>>) target(%dma_start3A_200 : memref<10008x16xf32, #tpu.memory_space<vmem_shared>>) offsets(%dma_start3A_197 : memref<128xi32, #tpu.memory_space<vmem>>) semaphore(%run_scoped3A : memref<!tpu.dma_semaphore, #tpu.memory_space<semaphore_mem>>) {add = true}
        %dma_wait3A_201 = arith.constant 0 : i32
        %dma_wait3A_202 = tpu.memref_slice %arg8[%add3A_91, %dma_wait3A_201] : memref<80x128xi32, #tpu.memory_space<vmem>> -> memref<1x128xi32, #tpu.memory_space<vmem>>
        %dma_wait3A_203 = tpu.memref_squeeze %dma_wait3A_202 : memref<1x128xi32, #tpu.memory_space<vmem>> -> memref<128xi32, #tpu.memory_space<vmem>>
        %dma_wait3A_204 = arith.constant 0 : i32
        %dma_wait3A_205 = arith.constant 0 : i32
        %dma_wait3A_206 = tpu.memref_slice %arg25[%dma_wait3A_204, %dma_wait3A_205] : memref<10008x16xf32, #tpu.memory_space<vmem_shared>> -> memref<10008x16xf32, #tpu.memory_space<vmem_shared>>
        tpu.wait_indirect_dma semaphore(%run_scoped3A : memref<!tpu.dma_semaphore, #tpu.memory_space<semaphore_mem>>) src(%arg10 : memref<128x16xf32, #tpu.memory_space<vmem>>) dst(%dma_wait3A_206 : memref<10008x16xf32, #tpu.memory_space<vmem_shared>>)
        tpu.yield
      }) : () -> ()
      %add3A_98 = arith.constant 8 : i32
      %add3A_99 = arith.addi %add3A_91, %add3A_98 : i32
      %lt3A_100 = arith.constant 80 : i32
      %lt3A_101 = arith.cmpi slt, %add3A_99, %lt3A_100 : i32
      %convert_element_type3A_102 = arith.extui %lt3A_101 : i1 to i32
      %cond3A_103 = arith.constant 0 : i32
      %cond3A_104 = arith.cmpi ne, %convert_element_type3A_102, %cond3A_103 : i32
      scf.if %cond3A_104 {
        %add3A_195 = arith.constant 8 : i32
        %add3A_196 = arith.addi %add3A_91, %add3A_195 : i32
        %dma_start3A_197 = arith.constant 0 : i32
        %dma_start3A_198 = tpu.memref_slice %arg7[%add3A_196, %dma_start3A_197] : memref<80x128xi32, #tpu.memory_space<vmem>> -> memref<1x128xi32, #tpu.memory_space<vmem>>
        %dma_start3A_199 = tpu.memref_squeeze %dma_start3A_198 : memref<1x128xi32, #tpu.memory_space<vmem>> -> memref<128xi32, #tpu.memory_space<vmem>>
        %dma_start3A_200 = arith.constant 0 : i32
        %dma_start3A_201 = arith.constant 0 : i32
        %dma_start3A_202 = tpu.memref_slice %arg26[%dma_start3A_200, %dma_start3A_201] : memref<10008x16xf32, #tpu.memory_space<vmem_shared>> -> memref<10008x16xf32, #tpu.memory_space<vmem_shared>>
        tpu.enqueue_indirect_dma source(%dma_start3A_202 : memref<10008x16xf32, #tpu.memory_space<vmem_shared>>) target(%arg10 : memref<128x16xf32, #tpu.memory_space<vmem>>) offsets(%dma_start3A_199 : memref<128xi32, #tpu.memory_space<vmem>>) semaphore(%arg18 : memref<!tpu.dma_semaphore, #tpu.memory_space<semaphore_mem>>)
      } else {
      }
      %add3A_105 = arith.constant 2 : i32
      %add3A_106 = arith.addi %mul3A_76, %add3A_105 : i32
      %dma_wait3A_107 = arith.constant 0 : i32
      %dma_wait3A_108 = tpu.memref_slice %arg7[%add3A_106, %dma_wait3A_107] : memref<80x128xi32, #tpu.memory_space<vmem>> -> memref<1x128xi32, #tpu.memory_space<vmem>>
      %dma_wait3A_109 = tpu.memref_squeeze %dma_wait3A_108 : memref<1x128xi32, #tpu.memory_space<vmem>> -> memref<128xi32, #tpu.memory_space<vmem>>
      %dma_wait3A_110 = arith.constant 0 : i32
      %dma_wait3A_111 = arith.constant 0 : i32
      %dma_wait3A_112 = tpu.memref_slice %arg26[%dma_wait3A_110, %dma_wait3A_111] : memref<10008x16xf32, #tpu.memory_space<vmem_shared>> -> memref<10008x16xf32, #tpu.memory_space<vmem_shared>>
      tpu.wait_indirect_dma semaphore(%arg19 : memref<!tpu.dma_semaphore, #tpu.memory_space<semaphore_mem>>) src(%dma_wait3A_112 : memref<10008x16xf32, #tpu.memory_space<vmem_shared>>) dst(%arg11 : memref<128x16xf32, #tpu.memory_space<vmem>>)
      "tpu.region"() ({
        %run_scoped3A = tpu.sem_alloc : memref<!tpu.dma_semaphore, #tpu.memory_space<semaphore_mem>>
        %dma_start3A_195 = arith.constant 0 : i32
        %dma_start3A_196 = tpu.memref_slice %arg8[%add3A_106, %dma_start3A_195] : memref<80x128xi32, #tpu.memory_space<vmem>> -> memref<1x128xi32, #tpu.memory_space<vmem>>
        %dma_start3A_197 = tpu.memref_squeeze %dma_start3A_196 : memref<1x128xi32, #tpu.memory_space<vmem>> -> memref<128xi32, #tpu.memory_space<vmem>>
        %dma_start3A_198 = arith.constant 0 : i32
        %dma_start3A_199 = arith.constant 0 : i32
        %dma_start3A_200 = tpu.memref_slice %arg25[%dma_start3A_198, %dma_start3A_199] : memref<10008x16xf32, #tpu.memory_space<vmem_shared>> -> memref<10008x16xf32, #tpu.memory_space<vmem_shared>>
        tpu.enqueue_indirect_dma source(%arg11 : memref<128x16xf32, #tpu.memory_space<vmem>>) target(%dma_start3A_200 : memref<10008x16xf32, #tpu.memory_space<vmem_shared>>) offsets(%dma_start3A_197 : memref<128xi32, #tpu.memory_space<vmem>>) semaphore(%run_scoped3A : memref<!tpu.dma_semaphore, #tpu.memory_space<semaphore_mem>>) {add = true}
        %dma_wait3A_201 = arith.constant 0 : i32
        %dma_wait3A_202 = tpu.memref_slice %arg8[%add3A_106, %dma_wait3A_201] : memref<80x128xi32, #tpu.memory_space<vmem>> -> memref<1x128xi32, #tpu.memory_space<vmem>>
        %dma_wait3A_203 = tpu.memref_squeeze %dma_wait3A_202 : memref<1x128xi32, #tpu.memory_space<vmem>> -> memref<128xi32, #tpu.memory_space<vmem>>
        %dma_wait3A_204 = arith.constant 0 : i32
        %dma_wait3A_205 = arith.constant 0 : i32
        %dma_wait3A_206 = tpu.memref_slice %arg25[%dma_wait3A_204, %dma_wait3A_205] : memref<10008x16xf32, #tpu.memory_space<vmem_shared>> -> memref<10008x16xf32, #tpu.memory_space<vmem_shared>>
        tpu.wait_indirect_dma semaphore(%run_scoped3A : memref<!tpu.dma_semaphore, #tpu.memory_space<semaphore_mem>>) src(%arg11 : memref<128x16xf32, #tpu.memory_space<vmem>>) dst(%dma_wait3A_206 : memref<10008x16xf32, #tpu.memory_space<vmem_shared>>)
        tpu.yield
      }) : () -> ()
      %add3A_113 = arith.constant 8 : i32
      %add3A_114 = arith.addi %add3A_106, %add3A_113 : i32
      %lt3A_115 = arith.constant 80 : i32
      %lt3A_116 = arith.cmpi slt, %add3A_114, %lt3A_115 : i32
      %convert_element_type3A_117 = arith.extui %lt3A_116 : i1 to i32
      %cond3A_118 = arith.constant 0 : i32
      %cond3A_119 = arith.cmpi ne, %convert_element_type3A_117, %cond3A_118 : i32
      scf.if %cond3A_119 {
        %add3A_195 = arith.constant 8 : i32
        %add3A_196 = arith.addi %add3A_106, %add3A_195 : i32
        %dma_start3A_197 = arith.constant 0 : i32
        %dma_start3A_198 = tpu.memref_slice %arg7[%add3A_196, %dma_start3A_197] : memref<80x128xi32, #tpu.memory_space<vmem>> -> memref<1x128xi32, #tpu.memory_space<vmem>>
        %dma_start3A_199 = tpu.memref_squeeze %dma_start3A_198 : memref<1x128xi32, #tpu.memory_space<vmem>> -> memref<128xi32, #tpu.memory_space<vmem>>
        %dma_start3A_200 = arith.constant 0 : i32
        %dma_start3A_201 = arith.constant 0 : i32
        %dma_start3A_202 = tpu.memref_slice %arg26[%dma_start3A_200, %dma_start3A_201] : memref<10008x16xf32, #tpu.memory_space<vmem_shared>> -> memref<10008x16xf32, #tpu.memory_space<vmem_shared>>
        tpu.enqueue_indirect_dma source(%dma_start3A_202 : memref<10008x16xf32, #tpu.memory_space<vmem_shared>>) target(%arg11 : memref<128x16xf32, #tpu.memory_space<vmem>>) offsets(%dma_start3A_199 : memref<128xi32, #tpu.memory_space<vmem>>) semaphore(%arg19 : memref<!tpu.dma_semaphore, #tpu.memory_space<semaphore_mem>>)
      } else {
      }
      %add3A_120 = arith.constant 3 : i32
      %add3A_121 = arith.addi %mul3A_76, %add3A_120 : i32
      %dma_wait3A_122 = arith.constant 0 : i32
      %dma_wait3A_123 = tpu.memref_slice %arg7[%add3A_121, %dma_wait3A_122] : memref<80x128xi32, #tpu.memory_space<vmem>> -> memref<1x128xi32, #tpu.memory_space<vmem>>
      %dma_wait3A_124 = tpu.memref_squeeze %dma_wait3A_123 : memref<1x128xi32, #tpu.memory_space<vmem>> -> memref<128xi32, #tpu.memory_space<vmem>>
      %dma_wait3A_125 = arith.constant 0 : i32
      %dma_wait3A_126 = arith.constant 0 : i32
      %dma_wait3A_127 = tpu.memref_slice %arg26[%dma_wait3A_125, %dma_wait3A_126] : memref<10008x16xf32, #tpu.memory_space<vmem_shared>> -> memref<10008x16xf32, #tpu.memory_space<vmem_shared>>
      tpu.wait_indirect_dma semaphore(%arg20 : memref<!tpu.dma_semaphore, #tpu.memory_space<semaphore_mem>>) src(%dma_wait3A_127 : memref<10008x16xf32, #tpu.memory_space<vmem_shared>>) dst(%arg12 : memref<128x16xf32, #tpu.memory_space<vmem>>)
      "tpu.region"() ({
        %run_scoped3A = tpu.sem_alloc : memref<!tpu.dma_semaphore, #tpu.memory_space<semaphore_mem>>
        %dma_start3A_195 = arith.constant 0 : i32
        %dma_start3A_196 = tpu.memref_slice %arg8[%add3A_121, %dma_start3A_195] : memref<80x128xi32, #tpu.memory_space<vmem>> -> memref<1x128xi32, #tpu.memory_space<vmem>>
        %dma_start3A_197 = tpu.memref_squeeze %dma_start3A_196 : memref<1x128xi32, #tpu.memory_space<vmem>> -> memref<128xi32, #tpu.memory_space<vmem>>
        %dma_start3A_198 = arith.constant 0 : i32
        %dma_start3A_199 = arith.constant 0 : i32
        %dma_start3A_200 = tpu.memref_slice %arg25[%dma_start3A_198, %dma_start3A_199] : memref<10008x16xf32, #tpu.memory_space<vmem_shared>> -> memref<10008x16xf32, #tpu.memory_space<vmem_shared>>
        tpu.enqueue_indirect_dma source(%arg12 : memref<128x16xf32, #tpu.memory_space<vmem>>) target(%dma_start3A_200 : memref<10008x16xf32, #tpu.memory_space<vmem_shared>>) offsets(%dma_start3A_197 : memref<128xi32, #tpu.memory_space<vmem>>) semaphore(%run_scoped3A : memref<!tpu.dma_semaphore, #tpu.memory_space<semaphore_mem>>) {add = true}
        %dma_wait3A_201 = arith.constant 0 : i32
        %dma_wait3A_202 = tpu.memref_slice %arg8[%add3A_121, %dma_wait3A_201] : memref<80x128xi32, #tpu.memory_space<vmem>> -> memref<1x128xi32, #tpu.memory_space<vmem>>
        %dma_wait3A_203 = tpu.memref_squeeze %dma_wait3A_202 : memref<1x128xi32, #tpu.memory_space<vmem>> -> memref<128xi32, #tpu.memory_space<vmem>>
        %dma_wait3A_204 = arith.constant 0 : i32
        %dma_wait3A_205 = arith.constant 0 : i32
        %dma_wait3A_206 = tpu.memref_slice %arg25[%dma_wait3A_204, %dma_wait3A_205] : memref<10008x16xf32, #tpu.memory_space<vmem_shared>> -> memref<10008x16xf32, #tpu.memory_space<vmem_shared>>
        tpu.wait_indirect_dma semaphore(%run_scoped3A : memref<!tpu.dma_semaphore, #tpu.memory_space<semaphore_mem>>) src(%arg12 : memref<128x16xf32, #tpu.memory_space<vmem>>) dst(%dma_wait3A_206 : memref<10008x16xf32, #tpu.memory_space<vmem_shared>>)
        tpu.yield
      }) : () -> ()
      %add3A_128 = arith.constant 8 : i32
      %add3A_129 = arith.addi %add3A_121, %add3A_128 : i32
      %lt3A_130 = arith.constant 80 : i32
      %lt3A_131 = arith.cmpi slt, %add3A_129, %lt3A_130 : i32
      %convert_element_type3A_132 = arith.extui %lt3A_131 : i1 to i32
      %cond3A_133 = arith.constant 0 : i32
      %cond3A_134 = arith.cmpi ne, %convert_element_type3A_132, %cond3A_133 : i32
      scf.if %cond3A_134 {
        %add3A_195 = arith.constant 8 : i32
        %add3A_196 = arith.addi %add3A_121, %add3A_195 : i32
        %dma_start3A_197 = arith.constant 0 : i32
        %dma_start3A_198 = tpu.memref_slice %arg7[%add3A_196, %dma_start3A_197] : memref<80x128xi32, #tpu.memory_space<vmem>> -> memref<1x128xi32, #tpu.memory_space<vmem>>
        %dma_start3A_199 = tpu.memref_squeeze %dma_start3A_198 : memref<1x128xi32, #tpu.memory_space<vmem>> -> memref<128xi32, #tpu.memory_space<vmem>>
        %dma_start3A_200 = arith.constant 0 : i32
        %dma_start3A_201 = arith.constant 0 : i32
        %dma_start3A_202 = tpu.memref_slice %arg26[%dma_start3A_200, %dma_start3A_201] : memref<10008x16xf32, #tpu.memory_space<vmem_shared>> -> memref<10008x16xf32, #tpu.memory_space<vmem_shared>>
        tpu.enqueue_indirect_dma source(%dma_start3A_202 : memref<10008x16xf32, #tpu.memory_space<vmem_shared>>) target(%arg12 : memref<128x16xf32, #tpu.memory_space<vmem>>) offsets(%dma_start3A_199 : memref<128xi32, #tpu.memory_space<vmem>>) semaphore(%arg20 : memref<!tpu.dma_semaphore, #tpu.memory_space<semaphore_mem>>)
      } else {
      }
      %add3A_135 = arith.constant 4 : i32
      %add3A_136 = arith.addi %mul3A_76, %add3A_135 : i32
      %dma_wait3A_137 = arith.constant 0 : i32
      %dma_wait3A_138 = tpu.memref_slice %arg7[%add3A_136, %dma_wait3A_137] : memref<80x128xi32, #tpu.memory_space<vmem>> -> memref<1x128xi32, #tpu.memory_space<vmem>>
      %dma_wait3A_139 = tpu.memref_squeeze %dma_wait3A_138 : memref<1x128xi32, #tpu.memory_space<vmem>> -> memref<128xi32, #tpu.memory_space<vmem>>
      %dma_wait3A_140 = arith.constant 0 : i32
      %dma_wait3A_141 = arith.constant 0 : i32
      %dma_wait3A_142 = tpu.memref_slice %arg26[%dma_wait3A_140, %dma_wait3A_141] : memref<10008x16xf32, #tpu.memory_space<vmem_shared>> -> memref<10008x16xf32, #tpu.memory_space<vmem_shared>>
      tpu.wait_indirect_dma semaphore(%arg21 : memref<!tpu.dma_semaphore, #tpu.memory_space<semaphore_mem>>) src(%dma_wait3A_142 : memref<10008x16xf32, #tpu.memory_space<vmem_shared>>) dst(%arg13 : memref<128x16xf32, #tpu.memory_space<vmem>>)
      "tpu.region"() ({
        %run_scoped3A = tpu.sem_alloc : memref<!tpu.dma_semaphore, #tpu.memory_space<semaphore_mem>>
        %dma_start3A_195 = arith.constant 0 : i32
        %dma_start3A_196 = tpu.memref_slice %arg8[%add3A_136, %dma_start3A_195] : memref<80x128xi32, #tpu.memory_space<vmem>> -> memref<1x128xi32, #tpu.memory_space<vmem>>
        %dma_start3A_197 = tpu.memref_squeeze %dma_start3A_196 : memref<1x128xi32, #tpu.memory_space<vmem>> -> memref<128xi32, #tpu.memory_space<vmem>>
        %dma_start3A_198 = arith.constant 0 : i32
        %dma_start3A_199 = arith.constant 0 : i32
        %dma_start3A_200 = tpu.memref_slice %arg25[%dma_start3A_198, %dma_start3A_199] : memref<10008x16xf32, #tpu.memory_space<vmem_shared>> -> memref<10008x16xf32, #tpu.memory_space<vmem_shared>>
        tpu.enqueue_indirect_dma source(%arg13 : memref<128x16xf32, #tpu.memory_space<vmem>>) target(%dma_start3A_200 : memref<10008x16xf32, #tpu.memory_space<vmem_shared>>) offsets(%dma_start3A_197 : memref<128xi32, #tpu.memory_space<vmem>>) semaphore(%run_scoped3A : memref<!tpu.dma_semaphore, #tpu.memory_space<semaphore_mem>>) {add = true}
        %dma_wait3A_201 = arith.constant 0 : i32
        %dma_wait3A_202 = tpu.memref_slice %arg8[%add3A_136, %dma_wait3A_201] : memref<80x128xi32, #tpu.memory_space<vmem>> -> memref<1x128xi32, #tpu.memory_space<vmem>>
        %dma_wait3A_203 = tpu.memref_squeeze %dma_wait3A_202 : memref<1x128xi32, #tpu.memory_space<vmem>> -> memref<128xi32, #tpu.memory_space<vmem>>
        %dma_wait3A_204 = arith.constant 0 : i32
        %dma_wait3A_205 = arith.constant 0 : i32
        %dma_wait3A_206 = tpu.memref_slice %arg25[%dma_wait3A_204, %dma_wait3A_205] : memref<10008x16xf32, #tpu.memory_space<vmem_shared>> -> memref<10008x16xf32, #tpu.memory_space<vmem_shared>>
        tpu.wait_indirect_dma semaphore(%run_scoped3A : memref<!tpu.dma_semaphore, #tpu.memory_space<semaphore_mem>>) src(%arg13 : memref<128x16xf32, #tpu.memory_space<vmem>>) dst(%dma_wait3A_206 : memref<10008x16xf32, #tpu.memory_space<vmem_shared>>)
        tpu.yield
      }) : () -> ()
      %add3A_143 = arith.constant 8 : i32
      %add3A_144 = arith.addi %add3A_136, %add3A_143 : i32
      %lt3A_145 = arith.constant 80 : i32
      %lt3A_146 = arith.cmpi slt, %add3A_144, %lt3A_145 : i32
      %convert_element_type3A_147 = arith.extui %lt3A_146 : i1 to i32
      %cond3A_148 = arith.constant 0 : i32
      %cond3A_149 = arith.cmpi ne, %convert_element_type3A_147, %cond3A_148 : i32
      scf.if %cond3A_149 {
        %add3A_195 = arith.constant 8 : i32
        %add3A_196 = arith.addi %add3A_136, %add3A_195 : i32
        %dma_start3A_197 = arith.constant 0 : i32
        %dma_start3A_198 = tpu.memref_slice %arg7[%add3A_196, %dma_start3A_197] : memref<80x128xi32, #tpu.memory_space<vmem>> -> memref<1x128xi32, #tpu.memory_space<vmem>>
        %dma_start3A_199 = tpu.memref_squeeze %dma_start3A_198 : memref<1x128xi32, #tpu.memory_space<vmem>> -> memref<128xi32, #tpu.memory_space<vmem>>
        %dma_start3A_200 = arith.constant 0 : i32
        %dma_start3A_201 = arith.constant 0 : i32
        %dma_start3A_202 = tpu.memref_slice %arg26[%dma_start3A_200, %dma_start3A_201] : memref<10008x16xf32, #tpu.memory_space<vmem_shared>> -> memref<10008x16xf32, #tpu.memory_space<vmem_shared>>
        tpu.enqueue_indirect_dma source(%dma_start3A_202 : memref<10008x16xf32, #tpu.memory_space<vmem_shared>>) target(%arg13 : memref<128x16xf32, #tpu.memory_space<vmem>>) offsets(%dma_start3A_199 : memref<128xi32, #tpu.memory_space<vmem>>) semaphore(%arg21 : memref<!tpu.dma_semaphore, #tpu.memory_space<semaphore_mem>>)
      } else {
      }
      %add3A_150 = arith.constant 5 : i32
      %add3A_151 = arith.addi %mul3A_76, %add3A_150 : i32
      %dma_wait3A_152 = arith.constant 0 : i32
      %dma_wait3A_153 = tpu.memref_slice %arg7[%add3A_151, %dma_wait3A_152] : memref<80x128xi32, #tpu.memory_space<vmem>> -> memref<1x128xi32, #tpu.memory_space<vmem>>
      %dma_wait3A_154 = tpu.memref_squeeze %dma_wait3A_153 : memref<1x128xi32, #tpu.memory_space<vmem>> -> memref<128xi32, #tpu.memory_space<vmem>>
      %dma_wait3A_155 = arith.constant 0 : i32
      %dma_wait3A_156 = arith.constant 0 : i32
      %dma_wait3A_157 = tpu.memref_slice %arg26[%dma_wait3A_155, %dma_wait3A_156] : memref<10008x16xf32, #tpu.memory_space<vmem_shared>> -> memref<10008x16xf32, #tpu.memory_space<vmem_shared>>
      tpu.wait_indirect_dma semaphore(%arg22 : memref<!tpu.dma_semaphore, #tpu.memory_space<semaphore_mem>>) src(%dma_wait3A_157 : memref<10008x16xf32, #tpu.memory_space<vmem_shared>>) dst(%arg14 : memref<128x16xf32, #tpu.memory_space<vmem>>)
      "tpu.region"() ({
        %run_scoped3A = tpu.sem_alloc : memref<!tpu.dma_semaphore, #tpu.memory_space<semaphore_mem>>
        %dma_start3A_195 = arith.constant 0 : i32
        %dma_start3A_196 = tpu.memref_slice %arg8[%add3A_151, %dma_start3A_195] : memref<80x128xi32, #tpu.memory_space<vmem>> -> memref<1x128xi32, #tpu.memory_space<vmem>>
        %dma_start3A_197 = tpu.memref_squeeze %dma_start3A_196 : memref<1x128xi32, #tpu.memory_space<vmem>> -> memref<128xi32, #tpu.memory_space<vmem>>
        %dma_start3A_198 = arith.constant 0 : i32
        %dma_start3A_199 = arith.constant 0 : i32
        %dma_start3A_200 = tpu.memref_slice %arg25[%dma_start3A_198, %dma_start3A_199] : memref<10008x16xf32, #tpu.memory_space<vmem_shared>> -> memref<10008x16xf32, #tpu.memory_space<vmem_shared>>
        tpu.enqueue_indirect_dma source(%arg14 : memref<128x16xf32, #tpu.memory_space<vmem>>) target(%dma_start3A_200 : memref<10008x16xf32, #tpu.memory_space<vmem_shared>>) offsets(%dma_start3A_197 : memref<128xi32, #tpu.memory_space<vmem>>) semaphore(%run_scoped3A : memref<!tpu.dma_semaphore, #tpu.memory_space<semaphore_mem>>) {add = true}
        %dma_wait3A_201 = arith.constant 0 : i32
        %dma_wait3A_202 = tpu.memref_slice %arg8[%add3A_151, %dma_wait3A_201] : memref<80x128xi32, #tpu.memory_space<vmem>> -> memref<1x128xi32, #tpu.memory_space<vmem>>
        %dma_wait3A_203 = tpu.memref_squeeze %dma_wait3A_202 : memref<1x128xi32, #tpu.memory_space<vmem>> -> memref<128xi32, #tpu.memory_space<vmem>>
        %dma_wait3A_204 = arith.constant 0 : i32
        %dma_wait3A_205 = arith.constant 0 : i32
        %dma_wait3A_206 = tpu.memref_slice %arg25[%dma_wait3A_204, %dma_wait3A_205] : memref<10008x16xf32, #tpu.memory_space<vmem_shared>> -> memref<10008x16xf32, #tpu.memory_space<vmem_shared>>
        tpu.wait_indirect_dma semaphore(%run_scoped3A : memref<!tpu.dma_semaphore, #tpu.memory_space<semaphore_mem>>) src(%arg14 : memref<128x16xf32, #tpu.memory_space<vmem>>) dst(%dma_wait3A_206 : memref<10008x16xf32, #tpu.memory_space<vmem_shared>>)
        tpu.yield
      }) : () -> ()
      %add3A_158 = arith.constant 8 : i32
      %add3A_159 = arith.addi %add3A_151, %add3A_158 : i32
      %lt3A_160 = arith.constant 80 : i32
      %lt3A_161 = arith.cmpi slt, %add3A_159, %lt3A_160 : i32
      %convert_element_type3A_162 = arith.extui %lt3A_161 : i1 to i32
      %cond3A_163 = arith.constant 0 : i32
      %cond3A_164 = arith.cmpi ne, %convert_element_type3A_162, %cond3A_163 : i32
      scf.if %cond3A_164 {
        %add3A_195 = arith.constant 8 : i32
        %add3A_196 = arith.addi %add3A_151, %add3A_195 : i32
        %dma_start3A_197 = arith.constant 0 : i32
        %dma_start3A_198 = tpu.memref_slice %arg7[%add3A_196, %dma_start3A_197] : memref<80x128xi32, #tpu.memory_space<vmem>> -> memref<1x128xi32, #tpu.memory_space<vmem>>
        %dma_start3A_199 = tpu.memref_squeeze %dma_start3A_198 : memref<1x128xi32, #tpu.memory_space<vmem>> -> memref<128xi32, #tpu.memory_space<vmem>>
        %dma_start3A_200 = arith.constant 0 : i32
        %dma_start3A_201 = arith.constant 0 : i32
        %dma_start3A_202 = tpu.memref_slice %arg26[%dma_start3A_200, %dma_start3A_201] : memref<10008x16xf32, #tpu.memory_space<vmem_shared>> -> memref<10008x16xf32, #tpu.memory_space<vmem_shared>>
        tpu.enqueue_indirect_dma source(%dma_start3A_202 : memref<10008x16xf32, #tpu.memory_space<vmem_shared>>) target(%arg14 : memref<128x16xf32, #tpu.memory_space<vmem>>) offsets(%dma_start3A_199 : memref<128xi32, #tpu.memory_space<vmem>>) semaphore(%arg22 : memref<!tpu.dma_semaphore, #tpu.memory_space<semaphore_mem>>)
      } else {
      }
      %add3A_165 = arith.constant 6 : i32
      %add3A_166 = arith.addi %mul3A_76, %add3A_165 : i32
      %dma_wait3A_167 = arith.constant 0 : i32
      %dma_wait3A_168 = tpu.memref_slice %arg7[%add3A_166, %dma_wait3A_167] : memref<80x128xi32, #tpu.memory_space<vmem>> -> memref<1x128xi32, #tpu.memory_space<vmem>>
      %dma_wait3A_169 = tpu.memref_squeeze %dma_wait3A_168 : memref<1x128xi32, #tpu.memory_space<vmem>> -> memref<128xi32, #tpu.memory_space<vmem>>
      %dma_wait3A_170 = arith.constant 0 : i32
      %dma_wait3A_171 = arith.constant 0 : i32
      %dma_wait3A_172 = tpu.memref_slice %arg26[%dma_wait3A_170, %dma_wait3A_171] : memref<10008x16xf32, #tpu.memory_space<vmem_shared>> -> memref<10008x16xf32, #tpu.memory_space<vmem_shared>>
      tpu.wait_indirect_dma semaphore(%arg23 : memref<!tpu.dma_semaphore, #tpu.memory_space<semaphore_mem>>) src(%dma_wait3A_172 : memref<10008x16xf32, #tpu.memory_space<vmem_shared>>) dst(%arg15 : memref<128x16xf32, #tpu.memory_space<vmem>>)
      "tpu.region"() ({
        %run_scoped3A = tpu.sem_alloc : memref<!tpu.dma_semaphore, #tpu.memory_space<semaphore_mem>>
        %dma_start3A_195 = arith.constant 0 : i32
        %dma_start3A_196 = tpu.memref_slice %arg8[%add3A_166, %dma_start3A_195] : memref<80x128xi32, #tpu.memory_space<vmem>> -> memref<1x128xi32, #tpu.memory_space<vmem>>
        %dma_start3A_197 = tpu.memref_squeeze %dma_start3A_196 : memref<1x128xi32, #tpu.memory_space<vmem>> -> memref<128xi32, #tpu.memory_space<vmem>>
        %dma_start3A_198 = arith.constant 0 : i32
        %dma_start3A_199 = arith.constant 0 : i32
        %dma_start3A_200 = tpu.memref_slice %arg25[%dma_start3A_198, %dma_start3A_199] : memref<10008x16xf32, #tpu.memory_space<vmem_shared>> -> memref<10008x16xf32, #tpu.memory_space<vmem_shared>>
        tpu.enqueue_indirect_dma source(%arg15 : memref<128x16xf32, #tpu.memory_space<vmem>>) target(%dma_start3A_200 : memref<10008x16xf32, #tpu.memory_space<vmem_shared>>) offsets(%dma_start3A_197 : memref<128xi32, #tpu.memory_space<vmem>>) semaphore(%run_scoped3A : memref<!tpu.dma_semaphore, #tpu.memory_space<semaphore_mem>>) {add = true}
        %dma_wait3A_201 = arith.constant 0 : i32
        %dma_wait3A_202 = tpu.memref_slice %arg8[%add3A_166, %dma_wait3A_201] : memref<80x128xi32, #tpu.memory_space<vmem>> -> memref<1x128xi32, #tpu.memory_space<vmem>>
        %dma_wait3A_203 = tpu.memref_squeeze %dma_wait3A_202 : memref<1x128xi32, #tpu.memory_space<vmem>> -> memref<128xi32, #tpu.memory_space<vmem>>
        %dma_wait3A_204 = arith.constant 0 : i32
        %dma_wait3A_205 = arith.constant 0 : i32
        %dma_wait3A_206 = tpu.memref_slice %arg25[%dma_wait3A_204, %dma_wait3A_205] : memref<10008x16xf32, #tpu.memory_space<vmem_shared>> -> memref<10008x16xf32, #tpu.memory_space<vmem_shared>>
        tpu.wait_indirect_dma semaphore(%run_scoped3A : memref<!tpu.dma_semaphore, #tpu.memory_space<semaphore_mem>>) src(%arg15 : memref<128x16xf32, #tpu.memory_space<vmem>>) dst(%dma_wait3A_206 : memref<10008x16xf32, #tpu.memory_space<vmem_shared>>)
        tpu.yield
      }) : () -> ()
      %add3A_173 = arith.constant 8 : i32
      %add3A_174 = arith.addi %add3A_166, %add3A_173 : i32
      %lt3A_175 = arith.constant 80 : i32
      %lt3A_176 = arith.cmpi slt, %add3A_174, %lt3A_175 : i32
      %convert_element_type3A_177 = arith.extui %lt3A_176 : i1 to i32
      %cond3A_178 = arith.constant 0 : i32
      %cond3A_179 = arith.cmpi ne, %convert_element_type3A_177, %cond3A_178 : i32
      scf.if %cond3A_179 {
        %add3A_195 = arith.constant 8 : i32
        %add3A_196 = arith.addi %add3A_166, %add3A_195 : i32
        %dma_start3A_197 = arith.constant 0 : i32
        %dma_start3A_198 = tpu.memref_slice %arg7[%add3A_196, %dma_start3A_197] : memref<80x128xi32, #tpu.memory_space<vmem>> -> memref<1x128xi32, #tpu.memory_space<vmem>>
        %dma_start3A_199 = tpu.memref_squeeze %dma_start3A_198 : memref<1x128xi32, #tpu.memory_space<vmem>> -> memref<128xi32, #tpu.memory_space<vmem>>
        %dma_start3A_200 = arith.constant 0 : i32
        %dma_start3A_201 = arith.constant 0 : i32
        %dma_start3A_202 = tpu.memref_slice %arg26[%dma_start3A_200, %dma_start3A_201] : memref<10008x16xf32, #tpu.memory_space<vmem_shared>> -> memref<10008x16xf32, #tpu.memory_space<vmem_shared>>
        tpu.enqueue_indirect_dma source(%dma_start3A_202 : memref<10008x16xf32, #tpu.memory_space<vmem_shared>>) target(%arg15 : memref<128x16xf32, #tpu.memory_space<vmem>>) offsets(%dma_start3A_199 : memref<128xi32, #tpu.memory_space<vmem>>) semaphore(%arg23 : memref<!tpu.dma_semaphore, #tpu.memory_space<semaphore_mem>>)
      } else {
      }
      %add3A_180 = arith.constant 7 : i32
      %add3A_181 = arith.addi %mul3A_76, %add3A_180 : i32
      %dma_wait3A_182 = arith.constant 0 : i32
      %dma_wait3A_183 = tpu.memref_slice %arg7[%add3A_181, %dma_wait3A_182] : memref<80x128xi32, #tpu.memory_space<vmem>> -> memref<1x128xi32, #tpu.memory_space<vmem>>
      %dma_wait3A_184 = tpu.memref_squeeze %dma_wait3A_183 : memref<1x128xi32, #tpu.memory_space<vmem>> -> memref<128xi32, #tpu.memory_space<vmem>>
      %dma_wait3A_185 = arith.constant 0 : i32
      %dma_wait3A_186 = arith.constant 0 : i32
      %dma_wait3A_187 = tpu.memref_slice %arg26[%dma_wait3A_185, %dma_wait3A_186] : memref<10008x16xf32, #tpu.memory_space<vmem_shared>> -> memref<10008x16xf32, #tpu.memory_space<vmem_shared>>
      tpu.wait_indirect_dma semaphore(%arg24 : memref<!tpu.dma_semaphore, #tpu.memory_space<semaphore_mem>>) src(%dma_wait3A_187 : memref<10008x16xf32, #tpu.memory_space<vmem_shared>>) dst(%arg16 : memref<128x16xf32, #tpu.memory_space<vmem>>)
      "tpu.region"() ({
        %run_scoped3A = tpu.sem_alloc : memref<!tpu.dma_semaphore, #tpu.memory_space<semaphore_mem>>
        %dma_start3A_195 = arith.constant 0 : i32
        %dma_start3A_196 = tpu.memref_slice %arg8[%add3A_181, %dma_start3A_195] : memref<80x128xi32, #tpu.memory_space<vmem>> -> memref<1x128xi32, #tpu.memory_space<vmem>>
        %dma_start3A_197 = tpu.memref_squeeze %dma_start3A_196 : memref<1x128xi32, #tpu.memory_space<vmem>> -> memref<128xi32, #tpu.memory_space<vmem>>
        %dma_start3A_198 = arith.constant 0 : i32
        %dma_start3A_199 = arith.constant 0 : i32
        %dma_start3A_200 = tpu.memref_slice %arg25[%dma_start3A_198, %dma_start3A_199] : memref<10008x16xf32, #tpu.memory_space<vmem_shared>> -> memref<10008x16xf32, #tpu.memory_space<vmem_shared>>
        tpu.enqueue_indirect_dma source(%arg16 : memref<128x16xf32, #tpu.memory_space<vmem>>) target(%dma_start3A_200 : memref<10008x16xf32, #tpu.memory_space<vmem_shared>>) offsets(%dma_start3A_197 : memref<128xi32, #tpu.memory_space<vmem>>) semaphore(%run_scoped3A : memref<!tpu.dma_semaphore, #tpu.memory_space<semaphore_mem>>) {add = true}
        %dma_wait3A_201 = arith.constant 0 : i32
        %dma_wait3A_202 = tpu.memref_slice %arg8[%add3A_181, %dma_wait3A_201] : memref<80x128xi32, #tpu.memory_space<vmem>> -> memref<1x128xi32, #tpu.memory_space<vmem>>
        %dma_wait3A_203 = tpu.memref_squeeze %dma_wait3A_202 : memref<1x128xi32, #tpu.memory_space<vmem>> -> memref<128xi32, #tpu.memory_space<vmem>>
        %dma_wait3A_204 = arith.constant 0 : i32
        %dma_wait3A_205 = arith.constant 0 : i32
        %dma_wait3A_206 = tpu.memref_slice %arg25[%dma_wait3A_204, %dma_wait3A_205] : memref<10008x16xf32, #tpu.memory_space<vmem_shared>> -> memref<10008x16xf32, #tpu.memory_space<vmem_shared>>
        tpu.wait_indirect_dma semaphore(%run_scoped3A : memref<!tpu.dma_semaphore, #tpu.memory_space<semaphore_mem>>) src(%arg16 : memref<128x16xf32, #tpu.memory_space<vmem>>) dst(%dma_wait3A_206 : memref<10008x16xf32, #tpu.memory_space<vmem_shared>>)
        tpu.yield
      }) : () -> ()
      %add3A_188 = arith.constant 8 : i32
      %add3A_189 = arith.addi %add3A_181, %add3A_188 : i32
      %lt3A_190 = arith.constant 80 : i32
      %lt3A_191 = arith.cmpi slt, %add3A_189, %lt3A_190 : i32
      %convert_element_type3A_192 = arith.extui %lt3A_191 : i1 to i32
      %cond3A_193 = arith.constant 0 : i32
      %cond3A_194 = arith.cmpi ne, %convert_element_type3A_192, %cond3A_193 : i32
      scf.if %cond3A_194 {
        %add3A_195 = arith.constant 8 : i32
        %add3A_196 = arith.addi %add3A_181, %add3A_195 : i32
        %dma_start3A_197 = arith.constant 0 : i32
        %dma_start3A_198 = tpu.memref_slice %arg7[%add3A_196, %dma_start3A_197] : memref<80x128xi32, #tpu.memory_space<vmem>> -> memref<1x128xi32, #tpu.memory_space<vmem>>
        %dma_start3A_199 = tpu.memref_squeeze %dma_start3A_198 : memref<1x128xi32, #tpu.memory_space<vmem>> -> memref<128xi32, #tpu.memory_space<vmem>>
        %dma_start3A_200 = arith.constant 0 : i32
        %dma_start3A_201 = arith.constant 0 : i32
        %dma_start3A_202 = tpu.memref_slice %arg26[%dma_start3A_200, %dma_start3A_201] : memref<10008x16xf32, #tpu.memory_space<vmem_shared>> -> memref<10008x16xf32, #tpu.memory_space<vmem_shared>>
        tpu.enqueue_indirect_dma source(%dma_start3A_202 : memref<10008x16xf32, #tpu.memory_space<vmem_shared>>) target(%arg16 : memref<128x16xf32, #tpu.memory_space<vmem>>) offsets(%dma_start3A_199 : memref<128xi32, #tpu.memory_space<vmem>>) semaphore(%arg24 : memref<!tpu.dma_semaphore, #tpu.memory_space<semaphore_mem>>)
      } else {
      }
    }
    %scan3A_67 = arith.constant 10 : i32
    %barrier3A_68 = arith.constant 0 : index
    tpu.barrier barrier_id(%barrier3A_68)
    %eq3A_69 = arith.constant 0 : i32
    %eq3A_70 = arith.cmpi eq, %arg1, %eq3A_69 : i32
    %convert_element_type3A_71 = arith.extui %eq3A_70 : i1 to i32
    %cond3A_72 = arith.constant 0 : i32
    %cond3A_73 = arith.cmpi ne, %convert_element_type3A_71, %cond3A_72 : i32
    scf.if %cond3A_73 {
      "tpu.region"() ({
        %run_scoped3A = tpu.sem_alloc : memref<!tpu.dma_semaphore, #tpu.memory_space<semaphore_mem>>
        %dma_start3A_74 = arith.constant 0 : i32
        %dma_start3A_75 = arith.constant 0 : i32
        %dma_start3A_76 = tpu.memref_slice %arg6[%arg0, %dma_start3A_74, %dma_start3A_75] : memref<2x10008x16xf32, #tpu.memory_space<hbm>> -> memref<1x10008x16xf32, #tpu.memory_space<hbm>>
        %dma_start3A_77 = tpu.memref_squeeze %dma_start3A_76 : memref<1x10008x16xf32, #tpu.memory_space<hbm>> -> memref<10008x16xf32, #tpu.memory_space<hbm>>
        tpu.enqueue_dma source(%arg25 : memref<10008x16xf32, #tpu.memory_space<vmem_shared>>) target(%dma_start3A_77 : memref<10008x16xf32, #tpu.memory_space<hbm>>) target_semaphore(%run_scoped3A : memref<!tpu.dma_semaphore, #tpu.memory_space<semaphore_mem>>)
        %dma_wait3A = arith.constant 0 : i32
        %dma_wait3A_78 = arith.constant 0 : i32
        %dma_wait3A_79 = tpu.memref_slice %arg6[%arg0, %dma_wait3A, %dma_wait3A_78] : memref<2x10008x16xf32, #tpu.memory_space<hbm>> -> memref<1x10008x16xf32, #tpu.memory_space<hbm>>
        %dma_wait3A_80 = tpu.memref_squeeze %dma_wait3A_79 : memref<1x10008x16xf32, #tpu.memory_space<hbm>> -> memref<10008x16xf32, #tpu.memory_space<hbm>>
        tpu.wait_dma2 semaphore(%run_scoped3A : memref<!tpu.dma_semaphore, #tpu.memory_space<semaphore_mem>>) src(%arg25 : memref<10008x16xf32, #tpu.memory_space<vmem_shared>>) dst(%dma_wait3A_80 : memref<10008x16xf32, #tpu.memory_space<hbm>>)
        tpu.yield
      }) : () -> ()
    } else {
    }
    return
  }
}

#map = affine_map<(d0, d1) -> (0, 0)>
#map1 = affine_map<(d0, d1) -> (0, 0, 0)>
module attributes {stable_mosaic.version = 14 : i64} {
  func.func @scat_kernel(%arg0: i32, %arg1: i32, %arg2: memref<10008x16xf32, #tpu.memory_space<hbm>>, %arg3: memref<32x80x128xi32, #tpu.memory_space<hbm>>, %arg4: memref<32x80x128xi32, #tpu.memory_space<hbm>>, %arg5: memref<10008x16xf32, #tpu.memory_space<hbm>>, %arg6: memref<2x10008x16xf32, #tpu.memory_space<hbm>>, %arg7: memref<80x128xi32, #tpu.memory_space<vmem>>, %arg8: memref<80x128xi32, #tpu.memory_space<vmem>>, %arg9: memref<128x16xf32, #tpu.memory_space<vmem>>, %arg10: memref<128x16xf32, #tpu.memory_space<vmem>>, %arg11: memref<128x16xf32, #tpu.memory_space<vmem>>, %arg12: memref<128x16xf32, #tpu.memory_space<vmem>>, %arg13: memref<128x16xf32, #tpu.memory_space<vmem>>, %arg14: memref<128x16xf32, #tpu.memory_space<vmem>>, %arg15: memref<128x16xf32, #tpu.memory_space<vmem>>, %arg16: memref<128x16xf32, #tpu.memory_space<vmem>>, %arg17: memref<!tpu.dma_semaphore, #tpu.memory_space<semaphore_mem>>, %arg18: memref<!tpu.dma_semaphore, #tpu.memory_space<semaphore_mem>>, %arg19: memref<!tpu.dma_semaphore, #tpu.memory_space<semaphore_mem>>, %arg20: memref<!tpu.dma_semaphore, #tpu.memory_space<semaphore_mem>>, %arg21: memref<!tpu.dma_semaphore, #tpu.memory_space<semaphore_mem>>, %arg22: memref<!tpu.dma_semaphore, #tpu.memory_space<semaphore_mem>>, %arg23: memref<!tpu.dma_semaphore, #tpu.memory_space<semaphore_mem>>, %arg24: memref<!tpu.dma_semaphore, #tpu.memory_space<semaphore_mem>>, %arg25: memref<10008x16xf32, #tpu.memory_space<vmem_shared>>, %arg26: memref<10008x16xf32, #tpu.memory_space<vmem_shared>>) attributes {dimension_semantics = [#tpu.dimension_semantics<core_parallel>, #tpu.dimension_semantics<subcore_parallel>], iteration_bounds = array<i64: 2, 16>, scalar_prefetch = 0 : i64, scratch_operands = 20 : i64, tpu.core_type = #tpu.core_type<sc_vector_subcore>, window_params = [{transform_indices = #map}, {transform_indices = #map1}, {transform_indices = #map1}, {transform_indices = #map}, {transform_indices = #map1}]} {
    %eq3A = arith.constant 0 : i32
    %eq3A_0 = arith.cmpi eq, %arg1, %eq3A : i32
    %convert_element_type3A = arith.extui %eq3A_0 : i1 to i32
    %cond3A = arith.constant 0 : i32
    %cond3A_1 = arith.cmpi ne, %convert_element_type3A, %cond3A : i32
    scf.if %cond3A_1 {
      "tpu.region"() ({
        %run_scoped3A = tpu.sem_alloc : memref<!tpu.dma_semaphore, #tpu.memory_space<semaphore_mem>>
        tpu.enqueue_dma source(%arg5 : memref<10008x16xf32, #tpu.memory_space<hbm>>) target(%arg25 : memref<10008x16xf32, #tpu.memory_space<vmem_shared>>) target_semaphore(%run_scoped3A : memref<!tpu.dma_semaphore, #tpu.memory_space<semaphore_mem>>)
        tpu.wait_dma2 semaphore(%run_scoped3A : memref<!tpu.dma_semaphore, #tpu.memory_space<semaphore_mem>>) src(%arg5 : memref<10008x16xf32, #tpu.memory_space<hbm>>) dst(%arg25 : memref<10008x16xf32, #tpu.memory_space<vmem_shared>>)
        tpu.yield
      }) : () -> ()
    } else {
    }
    %eq3A_2 = arith.constant 1 : i32
    %eq3A_3 = arith.cmpi eq, %arg1, %eq3A_2 : i32
    %convert_element_type3A_4 = arith.extui %eq3A_3 : i1 to i32
    %cond3A_5 = arith.constant 0 : i32
    %cond3A_6 = arith.cmpi ne, %convert_element_type3A_4, %cond3A_5 : i32
    scf.if %cond3A_6 {
      "tpu.region"() ({
        %run_scoped3A = tpu.sem_alloc : memref<!tpu.dma_semaphore, #tpu.memory_space<semaphore_mem>>
        tpu.enqueue_dma source(%arg2 : memref<10008x16xf32, #tpu.memory_space<hbm>>) target(%arg26 : memref<10008x16xf32, #tpu.memory_space<vmem_shared>>) target_semaphore(%run_scoped3A : memref<!tpu.dma_semaphore, #tpu.memory_space<semaphore_mem>>)
        tpu.wait_dma2 semaphore(%run_scoped3A : memref<!tpu.dma_semaphore, #tpu.memory_space<semaphore_mem>>) src(%arg2 : memref<10008x16xf32, #tpu.memory_space<hbm>>) dst(%arg26 : memref<10008x16xf32, #tpu.memory_space<vmem_shared>>)
        tpu.yield
      }) : () -> ()
    } else {
    }
    %mul3A = arith.constant 16 : i32
    %mul3A_7 = arith.muli %arg0, %mul3A : i32
    %add3A = arith.addi %mul3A_7, %arg1 : i32
    "tpu.region"() ({
      %run_scoped3A = tpu.sem_alloc : memref<!tpu.dma_semaphore, #tpu.memory_space<semaphore_mem>>
      %dma_start3A_74 = arith.constant 0 : i32
      %dma_start3A_75 = arith.constant 0 : i32
      %dma_start3A_76 = tpu.memref_slice %arg3[%add3A, %dma_start3A_74, %dma_start3A_75] : memref<32x80x128xi32, #tpu.memory_space<hbm>> -> memref<1x80x128xi32, #tpu.memory_space<hbm>>
      %dma_start3A_77 = tpu.memref_squeeze %dma_start3A_76 : memref<1x80x128xi32, #tpu.memory_space<hbm>> -> memref<80x128xi32, #tpu.memory_space<hbm>>
      %dma_start3A_78 = arith.constant 0 : i32
      %dma_start3A_79 = arith.constant 0 : i32
      %dma_start3A_80 = tpu.memref_slice %arg3[%add3A, %dma_start3A_78, %dma_start3A_79] : memref<32x80x128xi32, #tpu.memory_space<hbm>> -> memref<1x80x128xi32, #tpu.memory_space<hbm>>
      %dma_start3A_81 = tpu.memref_squeeze %dma_start3A_80 : memref<1x80x128xi32, #tpu.memory_space<hbm>> -> memref<80x128xi32, #tpu.memory_space<hbm>>
      tpu.enqueue_dma source(%dma_start3A_81 : memref<80x128xi32, #tpu.memory_space<hbm>>) target(%arg7 : memref<80x128xi32, #tpu.memory_space<vmem>>) target_semaphore(%run_scoped3A : memref<!tpu.dma_semaphore, #tpu.memory_space<semaphore_mem>>)
      %dma_wait3A = arith.constant 0 : i32
      %dma_wait3A_82 = arith.constant 0 : i32
      %dma_wait3A_83 = tpu.memref_slice %arg3[%add3A, %dma_wait3A, %dma_wait3A_82] : memref<32x80x128xi32, #tpu.memory_space<hbm>> -> memref<1x80x128xi32, #tpu.memory_space<hbm>>
      %dma_wait3A_84 = tpu.memref_squeeze %dma_wait3A_83 : memref<1x80x128xi32, #tpu.memory_space<hbm>> -> memref<80x128xi32, #tpu.memory_space<hbm>>
      %dma_wait3A_85 = arith.constant 0 : i32
      %dma_wait3A_86 = arith.constant 0 : i32
      %dma_wait3A_87 = tpu.memref_slice %arg3[%add3A, %dma_wait3A_85, %dma_wait3A_86] : memref<32x80x128xi32, #tpu.memory_space<hbm>> -> memref<1x80x128xi32, #tpu.memory_space<hbm>>
      %dma_wait3A_88 = tpu.memref_squeeze %dma_wait3A_87 : memref<1x80x128xi32, #tpu.memory_space<hbm>> -> memref<80x128xi32, #tpu.memory_space<hbm>>
      tpu.wait_dma2 semaphore(%run_scoped3A : memref<!tpu.dma_semaphore, #tpu.memory_space<semaphore_mem>>) src(%dma_wait3A_88 : memref<80x128xi32, #tpu.memory_space<hbm>>) dst(%arg7 : memref<80x128xi32, #tpu.memory_space<vmem>>)
      tpu.yield
    }) : () -> ()
    "tpu.region"() ({
      %run_scoped3A = tpu.sem_alloc : memref<!tpu.dma_semaphore, #tpu.memory_space<semaphore_mem>>
      %dma_start3A_74 = arith.constant 0 : i32
      %dma_start3A_75 = arith.constant 0 : i32
      %dma_start3A_76 = tpu.memref_slice %arg4[%add3A, %dma_start3A_74, %dma_start3A_75] : memref<32x80x128xi32, #tpu.memory_space<hbm>> -> memref<1x80x128xi32, #tpu.memory_space<hbm>>
      %dma_start3A_77 = tpu.memref_squeeze %dma_start3A_76 : memref<1x80x128xi32, #tpu.memory_space<hbm>> -> memref<80x128xi32, #tpu.memory_space<hbm>>
      %dma_start3A_78 = arith.constant 0 : i32
      %dma_start3A_79 = arith.constant 0 : i32
      %dma_start3A_80 = tpu.memref_slice %arg4[%add3A, %dma_start3A_78, %dma_start3A_79] : memref<32x80x128xi32, #tpu.memory_space<hbm>> -> memref<1x80x128xi32, #tpu.memory_space<hbm>>
      %dma_start3A_81 = tpu.memref_squeeze %dma_start3A_80 : memref<1x80x128xi32, #tpu.memory_space<hbm>> -> memref<80x128xi32, #tpu.memory_space<hbm>>
      tpu.enqueue_dma source(%dma_start3A_81 : memref<80x128xi32, #tpu.memory_space<hbm>>) target(%arg8 : memref<80x128xi32, #tpu.memory_space<vmem>>) target_semaphore(%run_scoped3A : memref<!tpu.dma_semaphore, #tpu.memory_space<semaphore_mem>>)
      %dma_wait3A = arith.constant 0 : i32
      %dma_wait3A_82 = arith.constant 0 : i32
      %dma_wait3A_83 = tpu.memref_slice %arg4[%add3A, %dma_wait3A, %dma_wait3A_82] : memref<32x80x128xi32, #tpu.memory_space<hbm>> -> memref<1x80x128xi32, #tpu.memory_space<hbm>>
      %dma_wait3A_84 = tpu.memref_squeeze %dma_wait3A_83 : memref<1x80x128xi32, #tpu.memory_space<hbm>> -> memref<80x128xi32, #tpu.memory_space<hbm>>
      %dma_wait3A_85 = arith.constant 0 : i32
      %dma_wait3A_86 = arith.constant 0 : i32
      %dma_wait3A_87 = tpu.memref_slice %arg4[%add3A, %dma_wait3A_85, %dma_wait3A_86] : memref<32x80x128xi32, #tpu.memory_space<hbm>> -> memref<1x80x128xi32, #tpu.memory_space<hbm>>
      %dma_wait3A_88 = tpu.memref_squeeze %dma_wait3A_87 : memref<1x80x128xi32, #tpu.memory_space<hbm>> -> memref<80x128xi32, #tpu.memory_space<hbm>>
      tpu.wait_dma2 semaphore(%run_scoped3A : memref<!tpu.dma_semaphore, #tpu.memory_space<semaphore_mem>>) src(%dma_wait3A_88 : memref<80x128xi32, #tpu.memory_space<hbm>>) dst(%arg8 : memref<80x128xi32, #tpu.memory_space<vmem>>)
      tpu.yield
    }) : () -> ()
    %barrier3A = arith.constant 0 : index
    tpu.barrier barrier_id(%barrier3A)
    %dma_start3A = arith.constant 0 : i32
    %dma_start3A_8 = arith.constant 0 : i32
    %dma_start3A_9 = tpu.memref_slice %arg7[%dma_start3A, %dma_start3A_8] : memref<80x128xi32, #tpu.memory_space<vmem>> -> memref<1x128xi32, #tpu.memory_space<vmem>>
    %dma_start3A_10 = tpu.memref_squeeze %dma_start3A_9 : memref<1x128xi32, #tpu.memory_space<vmem>> -> memref<128xi32, #tpu.memory_space<vmem>>
    %dma_start3A_11 = arith.constant 0 : i32
    %dma_start3A_12 = arith.constant 0 : i32
    %dma_start3A_13 = tpu.memref_slice %arg26[%dma_start3A_11, %dma_start3A_12] : memref<10008x16xf32, #tpu.memory_space<vmem_shared>> -> memref<10008x16xf32, #tpu.memory_space<vmem_shared>>
    tpu.enqueue_indirect_dma source(%dma_start3A_13 : memref<10008x16xf32, #tpu.memory_space<vmem_shared>>) target(%arg9 : memref<128x16xf32, #tpu.memory_space<vmem>>) offsets(%dma_start3A_10 : memref<128xi32, #tpu.memory_space<vmem>>) semaphore(%arg17 : memref<!tpu.dma_semaphore, #tpu.memory_space<semaphore_mem>>)
    %dma_start3A_14 = arith.constant 1 : i32
    %dma_start3A_15 = arith.constant 0 : i32
    %dma_start3A_16 = tpu.memref_slice %arg7[%dma_start3A_14, %dma_start3A_15] : memref<80x128xi32, #tpu.memory_space<vmem>> -> memref<1x128xi32, #tpu.memory_space<vmem>>
    %dma_start3A_17 = tpu.memref_squeeze %dma_start3A_16 : memref<1x128xi32, #tpu.memory_space<vmem>> -> memref<128xi32, #tpu.memory_space<vmem>>
    %dma_start3A_18 = arith.constant 0 : i32
    %dma_start3A_19 = arith.constant 0 : i32
    %dma_start3A_20 = tpu.memref_slice %arg26[%dma_start3A_18, %dma_start3A_19] : memref<10008x16xf32, #tpu.memory_space<vmem_shared>> -> memref<10008x16xf32, #tpu.memory_space<vmem_shared>>
    tpu.enqueue_indirect_dma source(%dma_start3A_20 : memref<10008x16xf32, #tpu.memory_space<vmem_shared>>) target(%arg10 : memref<128x16xf32, #tpu.memory_space<vmem>>) offsets(%dma_start3A_17 : memref<128xi32, #tpu.memory_space<vmem>>) semaphore(%arg18 : memref<!tpu.dma_semaphore, #tpu.memory_space<semaphore_mem>>)
    %dma_start3A_21 = arith.constant 2 : i32
    %dma_start3A_22 = arith.constant 0 : i32
    %dma_start3A_23 = tpu.memref_slice %arg7[%dma_start3A_21, %dma_start3A_22] : memref<80x128xi32, #tpu.memory_space<vmem>> -> memref<1x128xi32, #tpu.memory_space<vmem>>
    %dma_start3A_24 = tpu.memref_squeeze %dma_start3A_23 : memref<1x128xi32, #tpu.memory_space<vmem>> -> memref<128xi32, #tpu.memory_space<vmem>>
    %dma_start3A_25 = arith.constant 0 : i32
    %dma_start3A_26 = arith.constant 0 : i32
    %dma_start3A_27 = tpu.memref_slice %arg26[%dma_start3A_25, %dma_start3A_26] : memref<10008x16xf32, #tpu.memory_space<vmem_shared>> -> memref<10008x16xf32, #tpu.memory_space<vmem_shared>>
    tpu.enqueue_indirect_dma source(%dma_start3A_27 : memref<10008x16xf32, #tpu.memory_space<vmem_shared>>) target(%arg11 : memref<128x16xf32, #tpu.memory_space<vmem>>) offsets(%dma_start3A_24 : memref<128xi32, #tpu.memory_space<vmem>>) semaphore(%arg19 : memref<!tpu.dma_semaphore, #tpu.memory_space<semaphore_mem>>)
    %dma_start3A_28 = arith.constant 3 : i32
    %dma_start3A_29 = arith.constant 0 : i32
    %dma_start3A_30 = tpu.memref_slice %arg7[%dma_start3A_28, %dma_start3A_29] : memref<80x128xi32, #tpu.memory_space<vmem>> -> memref<1x128xi32, #tpu.memory_space<vmem>>
    %dma_start3A_31 = tpu.memref_squeeze %dma_start3A_30 : memref<1x128xi32, #tpu.memory_space<vmem>> -> memref<128xi32, #tpu.memory_space<vmem>>
    %dma_start3A_32 = arith.constant 0 : i32
    %dma_start3A_33 = arith.constant 0 : i32
    %dma_start3A_34 = tpu.memref_slice %arg26[%dma_start3A_32, %dma_start3A_33] : memref<10008x16xf32, #tpu.memory_space<vmem_shared>> -> memref<10008x16xf32, #tpu.memory_space<vmem_shared>>
    tpu.enqueue_indirect_dma source(%dma_start3A_34 : memref<10008x16xf32, #tpu.memory_space<vmem_shared>>) target(%arg12 : memref<128x16xf32, #tpu.memory_space<vmem>>) offsets(%dma_start3A_31 : memref<128xi32, #tpu.memory_space<vmem>>) semaphore(%arg20 : memref<!tpu.dma_semaphore, #tpu.memory_space<semaphore_mem>>)
    %dma_start3A_35 = arith.constant 4 : i32
    %dma_start3A_36 = arith.constant 0 : i32
    %dma_start3A_37 = tpu.memref_slice %arg7[%dma_start3A_35, %dma_start3A_36] : memref<80x128xi32, #tpu.memory_space<vmem>> -> memref<1x128xi32, #tpu.memory_space<vmem>>
    %dma_start3A_38 = tpu.memref_squeeze %dma_start3A_37 : memref<1x128xi32, #tpu.memory_space<vmem>> -> memref<128xi32, #tpu.memory_space<vmem>>
    %dma_start3A_39 = arith.constant 0 : i32
    %dma_start3A_40 = arith.constant 0 : i32
    %dma_start3A_41 = tpu.memref_slice %arg26[%dma_start3A_39, %dma_start3A_40] : memref<10008x16xf32, #tpu.memory_space<vmem_shared>> -> memref<10008x16xf32, #tpu.memory_space<vmem_shared>>
    tpu.enqueue_indirect_dma source(%dma_start3A_41 : memref<10008x16xf32, #tpu.memory_space<vmem_shared>>) target(%arg13 : memref<128x16xf32, #tpu.memory_space<vmem>>) offsets(%dma_start3A_38 : memref<128xi32, #tpu.memory_space<vmem>>) semaphore(%arg21 : memref<!tpu.dma_semaphore, #tpu.memory_space<semaphore_mem>>)
    %dma_start3A_42 = arith.constant 5 : i32
    %dma_start3A_43 = arith.constant 0 : i32
    %dma_start3A_44 = tpu.memref_slice %arg7[%dma_start3A_42, %dma_start3A_43] : memref<80x128xi32, #tpu.memory_space<vmem>> -> memref<1x128xi32, #tpu.memory_space<vmem>>
    %dma_start3A_45 = tpu.memref_squeeze %dma_start3A_44 : memref<1x128xi32, #tpu.memory_space<vmem>> -> memref<128xi32, #tpu.memory_space<vmem>>
    %dma_start3A_46 = arith.constant 0 : i32
    %dma_start3A_47 = arith.constant 0 : i32
    %dma_start3A_48 = tpu.memref_slice %arg26[%dma_start3A_46, %dma_start3A_47] : memref<10008x16xf32, #tpu.memory_space<vmem_shared>> -> memref<10008x16xf32, #tpu.memory_space<vmem_shared>>
    tpu.enqueue_indirect_dma source(%dma_start3A_48 : memref<10008x16xf32, #tpu.memory_space<vmem_shared>>) target(%arg14 : memref<128x16xf32, #tpu.memory_space<vmem>>) offsets(%dma_start3A_45 : memref<128xi32, #tpu.memory_space<vmem>>) semaphore(%arg22 : memref<!tpu.dma_semaphore, #tpu.memory_space<semaphore_mem>>)
    %dma_start3A_49 = arith.constant 6 : i32
    %dma_start3A_50 = arith.constant 0 : i32
    %dma_start3A_51 = tpu.memref_slice %arg7[%dma_start3A_49, %dma_start3A_50] : memref<80x128xi32, #tpu.memory_space<vmem>> -> memref<1x128xi32, #tpu.memory_space<vmem>>
    %dma_start3A_52 = tpu.memref_squeeze %dma_start3A_51 : memref<1x128xi32, #tpu.memory_space<vmem>> -> memref<128xi32, #tpu.memory_space<vmem>>
    %dma_start3A_53 = arith.constant 0 : i32
    %dma_start3A_54 = arith.constant 0 : i32
    %dma_start3A_55 = tpu.memref_slice %arg26[%dma_start3A_53, %dma_start3A_54] : memref<10008x16xf32, #tpu.memory_space<vmem_shared>> -> memref<10008x16xf32, #tpu.memory_space<vmem_shared>>
    tpu.enqueue_indirect_dma source(%dma_start3A_55 : memref<10008x16xf32, #tpu.memory_space<vmem_shared>>) target(%arg15 : memref<128x16xf32, #tpu.memory_space<vmem>>) offsets(%dma_start3A_52 : memref<128xi32, #tpu.memory_space<vmem>>) semaphore(%arg23 : memref<!tpu.dma_semaphore, #tpu.memory_space<semaphore_mem>>)
    %dma_start3A_56 = arith.constant 7 : i32
    %dma_start3A_57 = arith.constant 0 : i32
    %dma_start3A_58 = tpu.memref_slice %arg7[%dma_start3A_56, %dma_start3A_57] : memref<80x128xi32, #tpu.memory_space<vmem>> -> memref<1x128xi32, #tpu.memory_space<vmem>>
    %dma_start3A_59 = tpu.memref_squeeze %dma_start3A_58 : memref<1x128xi32, #tpu.memory_space<vmem>> -> memref<128xi32, #tpu.memory_space<vmem>>
    %dma_start3A_60 = arith.constant 0 : i32
    %dma_start3A_61 = arith.constant 0 : i32
    %dma_start3A_62 = tpu.memref_slice %arg26[%dma_start3A_60, %dma_start3A_61] : memref<10008x16xf32, #tpu.memory_space<vmem_shared>> -> memref<10008x16xf32, #tpu.memory_space<vmem_shared>>
    tpu.enqueue_indirect_dma source(%dma_start3A_62 : memref<10008x16xf32, #tpu.memory_space<vmem_shared>>) target(%arg16 : memref<128x16xf32, #tpu.memory_space<vmem>>) offsets(%dma_start3A_59 : memref<128xi32, #tpu.memory_space<vmem>>) semaphore(%arg24 : memref<!tpu.dma_semaphore, #tpu.memory_space<semaphore_mem>>)
    %scan3A = arith.constant 0 : i32
    %scan3A_63 = arith.constant 0 : i32
    %scan3A_64 = arith.constant 10 : i32
    %scan3A_65 = arith.addi %scan3A_63, %scan3A_64 : i32
    %scan3A_66 = arith.constant 1 : i32
    scf.for %scan3A_74 = %scan3A_63 to %scan3A_65 step %scan3A_66  : i32 {
      %mul3A_75 = arith.constant 8 : i32
      %mul3A_76 = arith.muli %scan3A_74, %mul3A_75 : i32
      %add3A_77 = arith.constant 0 : i32
      %add3A_78 = arith.addi %mul3A_76, %add3A_77 : i32
      %dma_wait3A = arith.constant 0 : i32
      %dma_wait3A_79 = tpu.memref_slice %arg7[%add3A_78, %dma_wait3A] : memref<80x128xi32, #tpu.memory_space<vmem>> -> memref<1x128xi32, #tpu.memory_space<vmem>>
      %dma_wait3A_80 = tpu.memref_squeeze %dma_wait3A_79 : memref<1x128xi32, #tpu.memory_space<vmem>> -> memref<128xi32, #tpu.memory_space<vmem>>
      %dma_wait3A_81 = arith.constant 0 : i32
      %dma_wait3A_82 = arith.constant 0 : i32
      %dma_wait3A_83 = tpu.memref_slice %arg26[%dma_wait3A_81, %dma_wait3A_82] : memref<10008x16xf32, #tpu.memory_space<vmem_shared>> -> memref<10008x16xf32, #tpu.memory_space<vmem_shared>>
      tpu.wait_indirect_dma semaphore(%arg17 : memref<!tpu.dma_semaphore, #tpu.memory_space<semaphore_mem>>) src(%dma_wait3A_83 : memref<10008x16xf32, #tpu.memory_space<vmem_shared>>) dst(%arg9 : memref<128x16xf32, #tpu.memory_space<vmem>>)
      "tpu.region"() ({
        %run_scoped3A = tpu.sem_alloc : memref<!tpu.dma_semaphore, #tpu.memory_space<semaphore_mem>>
        %dma_start3A_195 = arith.constant 0 : i32
        %dma_start3A_196 = tpu.memref_slice %arg8[%add3A_78, %dma_start3A_195] : memref<80x128xi32, #tpu.memory_space<vmem>> -> memref<1x128xi32, #tpu.memory_space<vmem>>
        %dma_start3A_197 = tpu.memref_squeeze %dma_start3A_196 : memref<1x128xi32, #tpu.memory_space<vmem>> -> memref<128xi32, #tpu.memory_space<vmem>>
        %dma_start3A_198 = arith.constant 0 : i32
        %dma_start3A_199 = arith.constant 0 : i32
        %dma_start3A_200 = tpu.memref_slice %arg25[%dma_start3A_198, %dma_start3A_199] : memref<10008x16xf32, #tpu.memory_space<vmem_shared>> -> memref<10008x16xf32, #tpu.memory_space<vmem_shared>>
        tpu.enqueue_indirect_dma source(%arg9 : memref<128x16xf32, #tpu.memory_space<vmem>>) target(%dma_start3A_200 : memref<10008x16xf32, #tpu.memory_space<vmem_shared>>) offsets(%dma_start3A_197 : memref<128xi32, #tpu.memory_space<vmem>>) semaphore(%run_scoped3A : memref<!tpu.dma_semaphore, #tpu.memory_space<semaphore_mem>>) {add = true}
        %dma_wait3A_201 = arith.constant 0 : i32
        %dma_wait3A_202 = tpu.memref_slice %arg8[%add3A_78, %dma_wait3A_201] : memref<80x128xi32, #tpu.memory_space<vmem>> -> memref<1x128xi32, #tpu.memory_space<vmem>>
        %dma_wait3A_203 = tpu.memref_squeeze %dma_wait3A_202 : memref<1x128xi32, #tpu.memory_space<vmem>> -> memref<128xi32, #tpu.memory_space<vmem>>
        %dma_wait3A_204 = arith.constant 0 : i32
        %dma_wait3A_205 = arith.constant 0 : i32
        %dma_wait3A_206 = tpu.memref_slice %arg25[%dma_wait3A_204, %dma_wait3A_205] : memref<10008x16xf32, #tpu.memory_space<vmem_shared>> -> memref<10008x16xf32, #tpu.memory_space<vmem_shared>>
        tpu.wait_indirect_dma semaphore(%run_scoped3A : memref<!tpu.dma_semaphore, #tpu.memory_space<semaphore_mem>>) src(%arg9 : memref<128x16xf32, #tpu.memory_space<vmem>>) dst(%dma_wait3A_206 : memref<10008x16xf32, #tpu.memory_space<vmem_shared>>)
        tpu.yield
      }) : () -> ()
      %add3A_84 = arith.constant 8 : i32
      %add3A_85 = arith.addi %add3A_78, %add3A_84 : i32
      %lt3A = arith.constant 80 : i32
      %lt3A_86 = arith.cmpi slt, %add3A_85, %lt3A : i32
      %convert_element_type3A_87 = arith.extui %lt3A_86 : i1 to i32
      %cond3A_88 = arith.constant 0 : i32
      %cond3A_89 = arith.cmpi ne, %convert_element_type3A_87, %cond3A_88 : i32
      scf.if %cond3A_89 {
        %add3A_195 = arith.constant 8 : i32
        %add3A_196 = arith.addi %add3A_78, %add3A_195 : i32
        %dma_start3A_197 = arith.constant 0 : i32
        %dma_start3A_198 = tpu.memref_slice %arg7[%add3A_196, %dma_start3A_197] : memref<80x128xi32, #tpu.memory_space<vmem>> -> memref<1x128xi32, #tpu.memory_space<vmem>>
        %dma_start3A_199 = tpu.memref_squeeze %dma_start3A_198 : memref<1x128xi32, #tpu.memory_space<vmem>> -> memref<128xi32, #tpu.memory_space<vmem>>
        %dma_start3A_200 = arith.constant 0 : i32
        %dma_start3A_201 = arith.constant 0 : i32
        %dma_start3A_202 = tpu.memref_slice %arg26[%dma_start3A_200, %dma_start3A_201] : memref<10008x16xf32, #tpu.memory_space<vmem_shared>> -> memref<10008x16xf32, #tpu.memory_space<vmem_shared>>
        tpu.enqueue_indirect_dma source(%dma_start3A_202 : memref<10008x16xf32, #tpu.memory_space<vmem_shared>>) target(%arg9 : memref<128x16xf32, #tpu.memory_space<vmem>>) offsets(%dma_start3A_199 : memref<128xi32, #tpu.memory_space<vmem>>) semaphore(%arg17 : memref<!tpu.dma_semaphore, #tpu.memory_space<semaphore_mem>>)
      } else {
      }
      %add3A_90 = arith.constant 1 : i32
      %add3A_91 = arith.addi %mul3A_76, %add3A_90 : i32
      %dma_wait3A_92 = arith.constant 0 : i32
      %dma_wait3A_93 = tpu.memref_slice %arg7[%add3A_91, %dma_wait3A_92] : memref<80x128xi32, #tpu.memory_space<vmem>> -> memref<1x128xi32, #tpu.memory_space<vmem>>
      %dma_wait3A_94 = tpu.memref_squeeze %dma_wait3A_93 : memref<1x128xi32, #tpu.memory_space<vmem>> -> memref<128xi32, #tpu.memory_space<vmem>>
      %dma_wait3A_95 = arith.constant 0 : i32
      %dma_wait3A_96 = arith.constant 0 : i32
      %dma_wait3A_97 = tpu.memref_slice %arg26[%dma_wait3A_95, %dma_wait3A_96] : memref<10008x16xf32, #tpu.memory_space<vmem_shared>> -> memref<10008x16xf32, #tpu.memory_space<vmem_shared>>
      tpu.wait_indirect_dma semaphore(%arg18 : memref<!tpu.dma_semaphore, #tpu.memory_space<semaphore_mem>>) src(%dma_wait3A_97 : memref<10008x16xf32, #tpu.memory_space<vmem_shared>>) dst(%arg10 : memref<128x16xf32, #tpu.memory_space<vmem>>)
      "tpu.region"() ({
        %run_scoped3A = tpu.sem_alloc : memref<!tpu.dma_semaphore, #tpu.memory_space<semaphore_mem>>
        %dma_start3A_195 = arith.constant 0 : i32
        %dma_start3A_196 = tpu.memref_slice %arg8[%add3A_91, %dma_start3A_195] : memref<80x128xi32, #tpu.memory_space<vmem>> -> memref<1x128xi32, #tpu.memory_space<vmem>>
        %dma_start3A_197 = tpu.memref_squeeze %dma_start3A_196 : memref<1x128xi32, #tpu.memory_space<vmem>> -> memref<128xi32, #tpu.memory_space<vmem>>
        %dma_start3A_198 = arith.constant 0 : i32
        %dma_start3A_199 = arith.constant 0 : i32
        %dma_start3A_200 = tpu.memref_slice %arg25[%dma_start3A_198, %dma_start3A_199] : memref<10008x16xf32, #tpu.memory_space<vmem_shared>> -> memref<10008x16xf32, #tpu.memory_space<vmem_shared>>
        tpu.enqueue_indirect_dma source(%arg10 : memref<128x16xf32, #tpu.memory_space<vmem>>) target(%dma_start3A_200 : memref<10008x16xf32, #tpu.memory_space<vmem_shared>>) offsets(%dma_start3A_197 : memref<128xi32, #tpu.memory_space<vmem>>) semaphore(%run_scoped3A : memref<!tpu.dma_semaphore, #tpu.memory_space<semaphore_mem>>) {add = true}
        %dma_wait3A_201 = arith.constant 0 : i32
        %dma_wait3A_202 = tpu.memref_slice %arg8[%add3A_91, %dma_wait3A_201] : memref<80x128xi32, #tpu.memory_space<vmem>> -> memref<1x128xi32, #tpu.memory_space<vmem>>
        %dma_wait3A_203 = tpu.memref_squeeze %dma_wait3A_202 : memref<1x128xi32, #tpu.memory_space<vmem>> -> memref<128xi32, #tpu.memory_space<vmem>>
        %dma_wait3A_204 = arith.constant 0 : i32
        %dma_wait3A_205 = arith.constant 0 : i32
        %dma_wait3A_206 = tpu.memref_slice %arg25[%dma_wait3A_204, %dma_wait3A_205] : memref<10008x16xf32, #tpu.memory_space<vmem_shared>> -> memref<10008x16xf32, #tpu.memory_space<vmem_shared>>
        tpu.wait_indirect_dma semaphore(%run_scoped3A : memref<!tpu.dma_semaphore, #tpu.memory_space<semaphore_mem>>) src(%arg10 : memref<128x16xf32, #tpu.memory_space<vmem>>) dst(%dma_wait3A_206 : memref<10008x16xf32, #tpu.memory_space<vmem_shared>>)
        tpu.yield
      }) : () -> ()
      %add3A_98 = arith.constant 8 : i32
      %add3A_99 = arith.addi %add3A_91, %add3A_98 : i32
      %lt3A_100 = arith.constant 80 : i32
      %lt3A_101 = arith.cmpi slt, %add3A_99, %lt3A_100 : i32
      %convert_element_type3A_102 = arith.extui %lt3A_101 : i1 to i32
      %cond3A_103 = arith.constant 0 : i32
      %cond3A_104 = arith.cmpi ne, %convert_element_type3A_102, %cond3A_103 : i32
      scf.if %cond3A_104 {
        %add3A_195 = arith.constant 8 : i32
        %add3A_196 = arith.addi %add3A_91, %add3A_195 : i32
        %dma_start3A_197 = arith.constant 0 : i32
        %dma_start3A_198 = tpu.memref_slice %arg7[%add3A_196, %dma_start3A_197] : memref<80x128xi32, #tpu.memory_space<vmem>> -> memref<1x128xi32, #tpu.memory_space<vmem>>
        %dma_start3A_199 = tpu.memref_squeeze %dma_start3A_198 : memref<1x128xi32, #tpu.memory_space<vmem>> -> memref<128xi32, #tpu.memory_space<vmem>>
        %dma_start3A_200 = arith.constant 0 : i32
        %dma_start3A_201 = arith.constant 0 : i32
        %dma_start3A_202 = tpu.memref_slice %arg26[%dma_start3A_200, %dma_start3A_201] : memref<10008x16xf32, #tpu.memory_space<vmem_shared>> -> memref<10008x16xf32, #tpu.memory_space<vmem_shared>>
        tpu.enqueue_indirect_dma source(%dma_start3A_202 : memref<10008x16xf32, #tpu.memory_space<vmem_shared>>) target(%arg10 : memref<128x16xf32, #tpu.memory_space<vmem>>) offsets(%dma_start3A_199 : memref<128xi32, #tpu.memory_space<vmem>>) semaphore(%arg18 : memref<!tpu.dma_semaphore, #tpu.memory_space<semaphore_mem>>)
      } else {
      }
      %add3A_105 = arith.constant 2 : i32
      %add3A_106 = arith.addi %mul3A_76, %add3A_105 : i32
      %dma_wait3A_107 = arith.constant 0 : i32
      %dma_wait3A_108 = tpu.memref_slice %arg7[%add3A_106, %dma_wait3A_107] : memref<80x128xi32, #tpu.memory_space<vmem>> -> memref<1x128xi32, #tpu.memory_space<vmem>>
      %dma_wait3A_109 = tpu.memref_squeeze %dma_wait3A_108 : memref<1x128xi32, #tpu.memory_space<vmem>> -> memref<128xi32, #tpu.memory_space<vmem>>
      %dma_wait3A_110 = arith.constant 0 : i32
      %dma_wait3A_111 = arith.constant 0 : i32
      %dma_wait3A_112 = tpu.memref_slice %arg26[%dma_wait3A_110, %dma_wait3A_111] : memref<10008x16xf32, #tpu.memory_space<vmem_shared>> -> memref<10008x16xf32, #tpu.memory_space<vmem_shared>>
      tpu.wait_indirect_dma semaphore(%arg19 : memref<!tpu.dma_semaphore, #tpu.memory_space<semaphore_mem>>) src(%dma_wait3A_112 : memref<10008x16xf32, #tpu.memory_space<vmem_shared>>) dst(%arg11 : memref<128x16xf32, #tpu.memory_space<vmem>>)
      "tpu.region"() ({
        %run_scoped3A = tpu.sem_alloc : memref<!tpu.dma_semaphore, #tpu.memory_space<semaphore_mem>>
        %dma_start3A_195 = arith.constant 0 : i32
        %dma_start3A_196 = tpu.memref_slice %arg8[%add3A_106, %dma_start3A_195] : memref<80x128xi32, #tpu.memory_space<vmem>> -> memref<1x128xi32, #tpu.memory_space<vmem>>
        %dma_start3A_197 = tpu.memref_squeeze %dma_start3A_196 : memref<1x128xi32, #tpu.memory_space<vmem>> -> memref<128xi32, #tpu.memory_space<vmem>>
        %dma_start3A_198 = arith.constant 0 : i32
        %dma_start3A_199 = arith.constant 0 : i32
        %dma_start3A_200 = tpu.memref_slice %arg25[%dma_start3A_198, %dma_start3A_199] : memref<10008x16xf32, #tpu.memory_space<vmem_shared>> -> memref<10008x16xf32, #tpu.memory_space<vmem_shared>>
        tpu.enqueue_indirect_dma source(%arg11 : memref<128x16xf32, #tpu.memory_space<vmem>>) target(%dma_start3A_200 : memref<10008x16xf32, #tpu.memory_space<vmem_shared>>) offsets(%dma_start3A_197 : memref<128xi32, #tpu.memory_space<vmem>>) semaphore(%run_scoped3A : memref<!tpu.dma_semaphore, #tpu.memory_space<semaphore_mem>>) {add = true}
        %dma_wait3A_201 = arith.constant 0 : i32
        %dma_wait3A_202 = tpu.memref_slice %arg8[%add3A_106, %dma_wait3A_201] : memref<80x128xi32, #tpu.memory_space<vmem>> -> memref<1x128xi32, #tpu.memory_space<vmem>>
        %dma_wait3A_203 = tpu.memref_squeeze %dma_wait3A_202 : memref<1x128xi32, #tpu.memory_space<vmem>> -> memref<128xi32, #tpu.memory_space<vmem>>
        %dma_wait3A_204 = arith.constant 0 : i32
        %dma_wait3A_205 = arith.constant 0 : i32
        %dma_wait3A_206 = tpu.memref_slice %arg25[%dma_wait3A_204, %dma_wait3A_205] : memref<10008x16xf32, #tpu.memory_space<vmem_shared>> -> memref<10008x16xf32, #tpu.memory_space<vmem_shared>>
        tpu.wait_indirect_dma semaphore(%run_scoped3A : memref<!tpu.dma_semaphore, #tpu.memory_space<semaphore_mem>>) src(%arg11 : memref<128x16xf32, #tpu.memory_space<vmem>>) dst(%dma_wait3A_206 : memref<10008x16xf32, #tpu.memory_space<vmem_shared>>)
        tpu.yield
      }) : () -> ()
      %add3A_113 = arith.constant 8 : i32
      %add3A_114 = arith.addi %add3A_106, %add3A_113 : i32
      %lt3A_115 = arith.constant 80 : i32
      %lt3A_116 = arith.cmpi slt, %add3A_114, %lt3A_115 : i32
      %convert_element_type3A_117 = arith.extui %lt3A_116 : i1 to i32
      %cond3A_118 = arith.constant 0 : i32
      %cond3A_119 = arith.cmpi ne, %convert_element_type3A_117, %cond3A_118 : i32
      scf.if %cond3A_119 {
        %add3A_195 = arith.constant 8 : i32
        %add3A_196 = arith.addi %add3A_106, %add3A_195 : i32
        %dma_start3A_197 = arith.constant 0 : i32
        %dma_start3A_198 = tpu.memref_slice %arg7[%add3A_196, %dma_start3A_197] : memref<80x128xi32, #tpu.memory_space<vmem>> -> memref<1x128xi32, #tpu.memory_space<vmem>>
        %dma_start3A_199 = tpu.memref_squeeze %dma_start3A_198 : memref<1x128xi32, #tpu.memory_space<vmem>> -> memref<128xi32, #tpu.memory_space<vmem>>
        %dma_start3A_200 = arith.constant 0 : i32
        %dma_start3A_201 = arith.constant 0 : i32
        %dma_start3A_202 = tpu.memref_slice %arg26[%dma_start3A_200, %dma_start3A_201] : memref<10008x16xf32, #tpu.memory_space<vmem_shared>> -> memref<10008x16xf32, #tpu.memory_space<vmem_shared>>
        tpu.enqueue_indirect_dma source(%dma_start3A_202 : memref<10008x16xf32, #tpu.memory_space<vmem_shared>>) target(%arg11 : memref<128x16xf32, #tpu.memory_space<vmem>>) offsets(%dma_start3A_199 : memref<128xi32, #tpu.memory_space<vmem>>) semaphore(%arg19 : memref<!tpu.dma_semaphore, #tpu.memory_space<semaphore_mem>>)
      } else {
      }
      %add3A_120 = arith.constant 3 : i32
      %add3A_121 = arith.addi %mul3A_76, %add3A_120 : i32
      %dma_wait3A_122 = arith.constant 0 : i32
      %dma_wait3A_123 = tpu.memref_slice %arg7[%add3A_121, %dma_wait3A_122] : memref<80x128xi32, #tpu.memory_space<vmem>> -> memref<1x128xi32, #tpu.memory_space<vmem>>
      %dma_wait3A_124 = tpu.memref_squeeze %dma_wait3A_123 : memref<1x128xi32, #tpu.memory_space<vmem>> -> memref<128xi32, #tpu.memory_space<vmem>>
      %dma_wait3A_125 = arith.constant 0 : i32
      %dma_wait3A_126 = arith.constant 0 : i32
      %dma_wait3A_127 = tpu.memref_slice %arg26[%dma_wait3A_125, %dma_wait3A_126] : memref<10008x16xf32, #tpu.memory_space<vmem_shared>> -> memref<10008x16xf32, #tpu.memory_space<vmem_shared>>
      tpu.wait_indirect_dma semaphore(%arg20 : memref<!tpu.dma_semaphore, #tpu.memory_space<semaphore_mem>>) src(%dma_wait3A_127 : memref<10008x16xf32, #tpu.memory_space<vmem_shared>>) dst(%arg12 : memref<128x16xf32, #tpu.memory_space<vmem>>)
      "tpu.region"() ({
        %run_scoped3A = tpu.sem_alloc : memref<!tpu.dma_semaphore, #tpu.memory_space<semaphore_mem>>
        %dma_start3A_195 = arith.constant 0 : i32
        %dma_start3A_196 = tpu.memref_slice %arg8[%add3A_121, %dma_start3A_195] : memref<80x128xi32, #tpu.memory_space<vmem>> -> memref<1x128xi32, #tpu.memory_space<vmem>>
        %dma_start3A_197 = tpu.memref_squeeze %dma_start3A_196 : memref<1x128xi32, #tpu.memory_space<vmem>> -> memref<128xi32, #tpu.memory_space<vmem>>
        %dma_start3A_198 = arith.constant 0 : i32
        %dma_start3A_199 = arith.constant 0 : i32
        %dma_start3A_200 = tpu.memref_slice %arg25[%dma_start3A_198, %dma_start3A_199] : memref<10008x16xf32, #tpu.memory_space<vmem_shared>> -> memref<10008x16xf32, #tpu.memory_space<vmem_shared>>
        tpu.enqueue_indirect_dma source(%arg12 : memref<128x16xf32, #tpu.memory_space<vmem>>) target(%dma_start3A_200 : memref<10008x16xf32, #tpu.memory_space<vmem_shared>>) offsets(%dma_start3A_197 : memref<128xi32, #tpu.memory_space<vmem>>) semaphore(%run_scoped3A : memref<!tpu.dma_semaphore, #tpu.memory_space<semaphore_mem>>) {add = true}
        %dma_wait3A_201 = arith.constant 0 : i32
        %dma_wait3A_202 = tpu.memref_slice %arg8[%add3A_121, %dma_wait3A_201] : memref<80x128xi32, #tpu.memory_space<vmem>> -> memref<1x128xi32, #tpu.memory_space<vmem>>
        %dma_wait3A_203 = tpu.memref_squeeze %dma_wait3A_202 : memref<1x128xi32, #tpu.memory_space<vmem>> -> memref<128xi32, #tpu.memory_space<vmem>>
        %dma_wait3A_204 = arith.constant 0 : i32
        %dma_wait3A_205 = arith.constant 0 : i32
        %dma_wait3A_206 = tpu.memref_slice %arg25[%dma_wait3A_204, %dma_wait3A_205] : memref<10008x16xf32, #tpu.memory_space<vmem_shared>> -> memref<10008x16xf32, #tpu.memory_space<vmem_shared>>
        tpu.wait_indirect_dma semaphore(%run_scoped3A : memref<!tpu.dma_semaphore, #tpu.memory_space<semaphore_mem>>) src(%arg12 : memref<128x16xf32, #tpu.memory_space<vmem>>) dst(%dma_wait3A_206 : memref<10008x16xf32, #tpu.memory_space<vmem_shared>>)
        tpu.yield
      }) : () -> ()
      %add3A_128 = arith.constant 8 : i32
      %add3A_129 = arith.addi %add3A_121, %add3A_128 : i32
      %lt3A_130 = arith.constant 80 : i32
      %lt3A_131 = arith.cmpi slt, %add3A_129, %lt3A_130 : i32
      %convert_element_type3A_132 = arith.extui %lt3A_131 : i1 to i32
      %cond3A_133 = arith.constant 0 : i32
      %cond3A_134 = arith.cmpi ne, %convert_element_type3A_132, %cond3A_133 : i32
      scf.if %cond3A_134 {
        %add3A_195 = arith.constant 8 : i32
        %add3A_196 = arith.addi %add3A_121, %add3A_195 : i32
        %dma_start3A_197 = arith.constant 0 : i32
        %dma_start3A_198 = tpu.memref_slice %arg7[%add3A_196, %dma_start3A_197] : memref<80x128xi32, #tpu.memory_space<vmem>> -> memref<1x128xi32, #tpu.memory_space<vmem>>
        %dma_start3A_199 = tpu.memref_squeeze %dma_start3A_198 : memref<1x128xi32, #tpu.memory_space<vmem>> -> memref<128xi32, #tpu.memory_space<vmem>>
        %dma_start3A_200 = arith.constant 0 : i32
        %dma_start3A_201 = arith.constant 0 : i32
        %dma_start3A_202 = tpu.memref_slice %arg26[%dma_start3A_200, %dma_start3A_201] : memref<10008x16xf32, #tpu.memory_space<vmem_shared>> -> memref<10008x16xf32, #tpu.memory_space<vmem_shared>>
        tpu.enqueue_indirect_dma source(%dma_start3A_202 : memref<10008x16xf32, #tpu.memory_space<vmem_shared>>) target(%arg12 : memref<128x16xf32, #tpu.memory_space<vmem>>) offsets(%dma_start3A_199 : memref<128xi32, #tpu.memory_space<vmem>>) semaphore(%arg20 : memref<!tpu.dma_semaphore, #tpu.memory_space<semaphore_mem>>)
      } else {
      }
      %add3A_135 = arith.constant 4 : i32
      %add3A_136 = arith.addi %mul3A_76, %add3A_135 : i32
      %dma_wait3A_137 = arith.constant 0 : i32
      %dma_wait3A_138 = tpu.memref_slice %arg7[%add3A_136, %dma_wait3A_137] : memref<80x128xi32, #tpu.memory_space<vmem>> -> memref<1x128xi32, #tpu.memory_space<vmem>>
      %dma_wait3A_139 = tpu.memref_squeeze %dma_wait3A_138 : memref<1x128xi32, #tpu.memory_space<vmem>> -> memref<128xi32, #tpu.memory_space<vmem>>
      %dma_wait3A_140 = arith.constant 0 : i32
      %dma_wait3A_141 = arith.constant 0 : i32
      %dma_wait3A_142 = tpu.memref_slice %arg26[%dma_wait3A_140, %dma_wait3A_141] : memref<10008x16xf32, #tpu.memory_space<vmem_shared>> -> memref<10008x16xf32, #tpu.memory_space<vmem_shared>>
      tpu.wait_indirect_dma semaphore(%arg21 : memref<!tpu.dma_semaphore, #tpu.memory_space<semaphore_mem>>) src(%dma_wait3A_142 : memref<10008x16xf32, #tpu.memory_space<vmem_shared>>) dst(%arg13 : memref<128x16xf32, #tpu.memory_space<vmem>>)
      "tpu.region"() ({
        %run_scoped3A = tpu.sem_alloc : memref<!tpu.dma_semaphore, #tpu.memory_space<semaphore_mem>>
        %dma_start3A_195 = arith.constant 0 : i32
        %dma_start3A_196 = tpu.memref_slice %arg8[%add3A_136, %dma_start3A_195] : memref<80x128xi32, #tpu.memory_space<vmem>> -> memref<1x128xi32, #tpu.memory_space<vmem>>
        %dma_start3A_197 = tpu.memref_squeeze %dma_start3A_196 : memref<1x128xi32, #tpu.memory_space<vmem>> -> memref<128xi32, #tpu.memory_space<vmem>>
        %dma_start3A_198 = arith.constant 0 : i32
        %dma_start3A_199 = arith.constant 0 : i32
        %dma_start3A_200 = tpu.memref_slice %arg25[%dma_start3A_198, %dma_start3A_199] : memref<10008x16xf32, #tpu.memory_space<vmem_shared>> -> memref<10008x16xf32, #tpu.memory_space<vmem_shared>>
        tpu.enqueue_indirect_dma source(%arg13 : memref<128x16xf32, #tpu.memory_space<vmem>>) target(%dma_start3A_200 : memref<10008x16xf32, #tpu.memory_space<vmem_shared>>) offsets(%dma_start3A_197 : memref<128xi32, #tpu.memory_space<vmem>>) semaphore(%run_scoped3A : memref<!tpu.dma_semaphore, #tpu.memory_space<semaphore_mem>>) {add = true}
        %dma_wait3A_201 = arith.constant 0 : i32
        %dma_wait3A_202 = tpu.memref_slice %arg8[%add3A_136, %dma_wait3A_201] : memref<80x128xi32, #tpu.memory_space<vmem>> -> memref<1x128xi32, #tpu.memory_space<vmem>>
        %dma_wait3A_203 = tpu.memref_squeeze %dma_wait3A_202 : memref<1x128xi32, #tpu.memory_space<vmem>> -> memref<128xi32, #tpu.memory_space<vmem>>
        %dma_wait3A_204 = arith.constant 0 : i32
        %dma_wait3A_205 = arith.constant 0 : i32
        %dma_wait3A_206 = tpu.memref_slice %arg25[%dma_wait3A_204, %dma_wait3A_205] : memref<10008x16xf32, #tpu.memory_space<vmem_shared>> -> memref<10008x16xf32, #tpu.memory_space<vmem_shared>>
        tpu.wait_indirect_dma semaphore(%run_scoped3A : memref<!tpu.dma_semaphore, #tpu.memory_space<semaphore_mem>>) src(%arg13 : memref<128x16xf32, #tpu.memory_space<vmem>>) dst(%dma_wait3A_206 : memref<10008x16xf32, #tpu.memory_space<vmem_shared>>)
        tpu.yield
      }) : () -> ()
      %add3A_143 = arith.constant 8 : i32
      %add3A_144 = arith.addi %add3A_136, %add3A_143 : i32
      %lt3A_145 = arith.constant 80 : i32
      %lt3A_146 = arith.cmpi slt, %add3A_144, %lt3A_145 : i32
      %convert_element_type3A_147 = arith.extui %lt3A_146 : i1 to i32
      %cond3A_148 = arith.constant 0 : i32
      %cond3A_149 = arith.cmpi ne, %convert_element_type3A_147, %cond3A_148 : i32
      scf.if %cond3A_149 {
        %add3A_195 = arith.constant 8 : i32
        %add3A_196 = arith.addi %add3A_136, %add3A_195 : i32
        %dma_start3A_197 = arith.constant 0 : i32
        %dma_start3A_198 = tpu.memref_slice %arg7[%add3A_196, %dma_start3A_197] : memref<80x128xi32, #tpu.memory_space<vmem>> -> memref<1x128xi32, #tpu.memory_space<vmem>>
        %dma_start3A_199 = tpu.memref_squeeze %dma_start3A_198 : memref<1x128xi32, #tpu.memory_space<vmem>> -> memref<128xi32, #tpu.memory_space<vmem>>
        %dma_start3A_200 = arith.constant 0 : i32
        %dma_start3A_201 = arith.constant 0 : i32
        %dma_start3A_202 = tpu.memref_slice %arg26[%dma_start3A_200, %dma_start3A_201] : memref<10008x16xf32, #tpu.memory_space<vmem_shared>> -> memref<10008x16xf32, #tpu.memory_space<vmem_shared>>
        tpu.enqueue_indirect_dma source(%dma_start3A_202 : memref<10008x16xf32, #tpu.memory_space<vmem_shared>>) target(%arg13 : memref<128x16xf32, #tpu.memory_space<vmem>>) offsets(%dma_start3A_199 : memref<128xi32, #tpu.memory_space<vmem>>) semaphore(%arg21 : memref<!tpu.dma_semaphore, #tpu.memory_space<semaphore_mem>>)
      } else {
      }
      %add3A_150 = arith.constant 5 : i32
      %add3A_151 = arith.addi %mul3A_76, %add3A_150 : i32
      %dma_wait3A_152 = arith.constant 0 : i32
      %dma_wait3A_153 = tpu.memref_slice %arg7[%add3A_151, %dma_wait3A_152] : memref<80x128xi32, #tpu.memory_space<vmem>> -> memref<1x128xi32, #tpu.memory_space<vmem>>
      %dma_wait3A_154 = tpu.memref_squeeze %dma_wait3A_153 : memref<1x128xi32, #tpu.memory_space<vmem>> -> memref<128xi32, #tpu.memory_space<vmem>>
      %dma_wait3A_155 = arith.constant 0 : i32
      %dma_wait3A_156 = arith.constant 0 : i32
      %dma_wait3A_157 = tpu.memref_slice %arg26[%dma_wait3A_155, %dma_wait3A_156] : memref<10008x16xf32, #tpu.memory_space<vmem_shared>> -> memref<10008x16xf32, #tpu.memory_space<vmem_shared>>
      tpu.wait_indirect_dma semaphore(%arg22 : memref<!tpu.dma_semaphore, #tpu.memory_space<semaphore_mem>>) src(%dma_wait3A_157 : memref<10008x16xf32, #tpu.memory_space<vmem_shared>>) dst(%arg14 : memref<128x16xf32, #tpu.memory_space<vmem>>)
      "tpu.region"() ({
        %run_scoped3A = tpu.sem_alloc : memref<!tpu.dma_semaphore, #tpu.memory_space<semaphore_mem>>
        %dma_start3A_195 = arith.constant 0 : i32
        %dma_start3A_196 = tpu.memref_slice %arg8[%add3A_151, %dma_start3A_195] : memref<80x128xi32, #tpu.memory_space<vmem>> -> memref<1x128xi32, #tpu.memory_space<vmem>>
        %dma_start3A_197 = tpu.memref_squeeze %dma_start3A_196 : memref<1x128xi32, #tpu.memory_space<vmem>> -> memref<128xi32, #tpu.memory_space<vmem>>
        %dma_start3A_198 = arith.constant 0 : i32
        %dma_start3A_199 = arith.constant 0 : i32
        %dma_start3A_200 = tpu.memref_slice %arg25[%dma_start3A_198, %dma_start3A_199] : memref<10008x16xf32, #tpu.memory_space<vmem_shared>> -> memref<10008x16xf32, #tpu.memory_space<vmem_shared>>
        tpu.enqueue_indirect_dma source(%arg14 : memref<128x16xf32, #tpu.memory_space<vmem>>) target(%dma_start3A_200 : memref<10008x16xf32, #tpu.memory_space<vmem_shared>>) offsets(%dma_start3A_197 : memref<128xi32, #tpu.memory_space<vmem>>) semaphore(%run_scoped3A : memref<!tpu.dma_semaphore, #tpu.memory_space<semaphore_mem>>) {add = true}
        %dma_wait3A_201 = arith.constant 0 : i32
        %dma_wait3A_202 = tpu.memref_slice %arg8[%add3A_151, %dma_wait3A_201] : memref<80x128xi32, #tpu.memory_space<vmem>> -> memref<1x128xi32, #tpu.memory_space<vmem>>
        %dma_wait3A_203 = tpu.memref_squeeze %dma_wait3A_202 : memref<1x128xi32, #tpu.memory_space<vmem>> -> memref<128xi32, #tpu.memory_space<vmem>>
        %dma_wait3A_204 = arith.constant 0 : i32
        %dma_wait3A_205 = arith.constant 0 : i32
        %dma_wait3A_206 = tpu.memref_slice %arg25[%dma_wait3A_204, %dma_wait3A_205] : memref<10008x16xf32, #tpu.memory_space<vmem_shared>> -> memref<10008x16xf32, #tpu.memory_space<vmem_shared>>
        tpu.wait_indirect_dma semaphore(%run_scoped3A : memref<!tpu.dma_semaphore, #tpu.memory_space<semaphore_mem>>) src(%arg14 : memref<128x16xf32, #tpu.memory_space<vmem>>) dst(%dma_wait3A_206 : memref<10008x16xf32, #tpu.memory_space<vmem_shared>>)
        tpu.yield
      }) : () -> ()
      %add3A_158 = arith.constant 8 : i32
      %add3A_159 = arith.addi %add3A_151, %add3A_158 : i32
      %lt3A_160 = arith.constant 80 : i32
      %lt3A_161 = arith.cmpi slt, %add3A_159, %lt3A_160 : i32
      %convert_element_type3A_162 = arith.extui %lt3A_161 : i1 to i32
      %cond3A_163 = arith.constant 0 : i32
      %cond3A_164 = arith.cmpi ne, %convert_element_type3A_162, %cond3A_163 : i32
      scf.if %cond3A_164 {
        %add3A_195 = arith.constant 8 : i32
        %add3A_196 = arith.addi %add3A_151, %add3A_195 : i32
        %dma_start3A_197 = arith.constant 0 : i32
        %dma_start3A_198 = tpu.memref_slice %arg7[%add3A_196, %dma_start3A_197] : memref<80x128xi32, #tpu.memory_space<vmem>> -> memref<1x128xi32, #tpu.memory_space<vmem>>
        %dma_start3A_199 = tpu.memref_squeeze %dma_start3A_198 : memref<1x128xi32, #tpu.memory_space<vmem>> -> memref<128xi32, #tpu.memory_space<vmem>>
        %dma_start3A_200 = arith.constant 0 : i32
        %dma_start3A_201 = arith.constant 0 : i32
        %dma_start3A_202 = tpu.memref_slice %arg26[%dma_start3A_200, %dma_start3A_201] : memref<10008x16xf32, #tpu.memory_space<vmem_shared>> -> memref<10008x16xf32, #tpu.memory_space<vmem_shared>>
        tpu.enqueue_indirect_dma source(%dma_start3A_202 : memref<10008x16xf32, #tpu.memory_space<vmem_shared>>) target(%arg14 : memref<128x16xf32, #tpu.memory_space<vmem>>) offsets(%dma_start3A_199 : memref<128xi32, #tpu.memory_space<vmem>>) semaphore(%arg22 : memref<!tpu.dma_semaphore, #tpu.memory_space<semaphore_mem>>)
      } else {
      }
      %add3A_165 = arith.constant 6 : i32
      %add3A_166 = arith.addi %mul3A_76, %add3A_165 : i32
      %dma_wait3A_167 = arith.constant 0 : i32
      %dma_wait3A_168 = tpu.memref_slice %arg7[%add3A_166, %dma_wait3A_167] : memref<80x128xi32, #tpu.memory_space<vmem>> -> memref<1x128xi32, #tpu.memory_space<vmem>>
      %dma_wait3A_169 = tpu.memref_squeeze %dma_wait3A_168 : memref<1x128xi32, #tpu.memory_space<vmem>> -> memref<128xi32, #tpu.memory_space<vmem>>
      %dma_wait3A_170 = arith.constant 0 : i32
      %dma_wait3A_171 = arith.constant 0 : i32
      %dma_wait3A_172 = tpu.memref_slice %arg26[%dma_wait3A_170, %dma_wait3A_171] : memref<10008x16xf32, #tpu.memory_space<vmem_shared>> -> memref<10008x16xf32, #tpu.memory_space<vmem_shared>>
      tpu.wait_indirect_dma semaphore(%arg23 : memref<!tpu.dma_semaphore, #tpu.memory_space<semaphore_mem>>) src(%dma_wait3A_172 : memref<10008x16xf32, #tpu.memory_space<vmem_shared>>) dst(%arg15 : memref<128x16xf32, #tpu.memory_space<vmem>>)
      "tpu.region"() ({
        %run_scoped3A = tpu.sem_alloc : memref<!tpu.dma_semaphore, #tpu.memory_space<semaphore_mem>>
        %dma_start3A_195 = arith.constant 0 : i32
        %dma_start3A_196 = tpu.memref_slice %arg8[%add3A_166, %dma_start3A_195] : memref<80x128xi32, #tpu.memory_space<vmem>> -> memref<1x128xi32, #tpu.memory_space<vmem>>
        %dma_start3A_197 = tpu.memref_squeeze %dma_start3A_196 : memref<1x128xi32, #tpu.memory_space<vmem>> -> memref<128xi32, #tpu.memory_space<vmem>>
        %dma_start3A_198 = arith.constant 0 : i32
        %dma_start3A_199 = arith.constant 0 : i32
        %dma_start3A_200 = tpu.memref_slice %arg25[%dma_start3A_198, %dma_start3A_199] : memref<10008x16xf32, #tpu.memory_space<vmem_shared>> -> memref<10008x16xf32, #tpu.memory_space<vmem_shared>>
        tpu.enqueue_indirect_dma source(%arg15 : memref<128x16xf32, #tpu.memory_space<vmem>>) target(%dma_start3A_200 : memref<10008x16xf32, #tpu.memory_space<vmem_shared>>) offsets(%dma_start3A_197 : memref<128xi32, #tpu.memory_space<vmem>>) semaphore(%run_scoped3A : memref<!tpu.dma_semaphore, #tpu.memory_space<semaphore_mem>>) {add = true}
        %dma_wait3A_201 = arith.constant 0 : i32
        %dma_wait3A_202 = tpu.memref_slice %arg8[%add3A_166, %dma_wait3A_201] : memref<80x128xi32, #tpu.memory_space<vmem>> -> memref<1x128xi32, #tpu.memory_space<vmem>>
        %dma_wait3A_203 = tpu.memref_squeeze %dma_wait3A_202 : memref<1x128xi32, #tpu.memory_space<vmem>> -> memref<128xi32, #tpu.memory_space<vmem>>
        %dma_wait3A_204 = arith.constant 0 : i32
        %dma_wait3A_205 = arith.constant 0 : i32
        %dma_wait3A_206 = tpu.memref_slice %arg25[%dma_wait3A_204, %dma_wait3A_205] : memref<10008x16xf32, #tpu.memory_space<vmem_shared>> -> memref<10008x16xf32, #tpu.memory_space<vmem_shared>>
        tpu.wait_indirect_dma semaphore(%run_scoped3A : memref<!tpu.dma_semaphore, #tpu.memory_space<semaphore_mem>>) src(%arg15 : memref<128x16xf32, #tpu.memory_space<vmem>>) dst(%dma_wait3A_206 : memref<10008x16xf32, #tpu.memory_space<vmem_shared>>)
        tpu.yield
      }) : () -> ()
      %add3A_173 = arith.constant 8 : i32
      %add3A_174 = arith.addi %add3A_166, %add3A_173 : i32
      %lt3A_175 = arith.constant 80 : i32
      %lt3A_176 = arith.cmpi slt, %add3A_174, %lt3A_175 : i32
      %convert_element_type3A_177 = arith.extui %lt3A_176 : i1 to i32
      %cond3A_178 = arith.constant 0 : i32
      %cond3A_179 = arith.cmpi ne, %convert_element_type3A_177, %cond3A_178 : i32
      scf.if %cond3A_179 {
        %add3A_195 = arith.constant 8 : i32
        %add3A_196 = arith.addi %add3A_166, %add3A_195 : i32
        %dma_start3A_197 = arith.constant 0 : i32
        %dma_start3A_198 = tpu.memref_slice %arg7[%add3A_196, %dma_start3A_197] : memref<80x128xi32, #tpu.memory_space<vmem>> -> memref<1x128xi32, #tpu.memory_space<vmem>>
        %dma_start3A_199 = tpu.memref_squeeze %dma_start3A_198 : memref<1x128xi32, #tpu.memory_space<vmem>> -> memref<128xi32, #tpu.memory_space<vmem>>
        %dma_start3A_200 = arith.constant 0 : i32
        %dma_start3A_201 = arith.constant 0 : i32
        %dma_start3A_202 = tpu.memref_slice %arg26[%dma_start3A_200, %dma_start3A_201] : memref<10008x16xf32, #tpu.memory_space<vmem_shared>> -> memref<10008x16xf32, #tpu.memory_space<vmem_shared>>
        tpu.enqueue_indirect_dma source(%dma_start3A_202 : memref<10008x16xf32, #tpu.memory_space<vmem_shared>>) target(%arg15 : memref<128x16xf32, #tpu.memory_space<vmem>>) offsets(%dma_start3A_199 : memref<128xi32, #tpu.memory_space<vmem>>) semaphore(%arg23 : memref<!tpu.dma_semaphore, #tpu.memory_space<semaphore_mem>>)
      } else {
      }
      %add3A_180 = arith.constant 7 : i32
      %add3A_181 = arith.addi %mul3A_76, %add3A_180 : i32
      %dma_wait3A_182 = arith.constant 0 : i32
      %dma_wait3A_183 = tpu.memref_slice %arg7[%add3A_181, %dma_wait3A_182] : memref<80x128xi32, #tpu.memory_space<vmem>> -> memref<1x128xi32, #tpu.memory_space<vmem>>
      %dma_wait3A_184 = tpu.memref_squeeze %dma_wait3A_183 : memref<1x128xi32, #tpu.memory_space<vmem>> -> memref<128xi32, #tpu.memory_space<vmem>>
      %dma_wait3A_185 = arith.constant 0 : i32
      %dma_wait3A_186 = arith.constant 0 : i32
      %dma_wait3A_187 = tpu.memref_slice %arg26[%dma_wait3A_185, %dma_wait3A_186] : memref<10008x16xf32, #tpu.memory_space<vmem_shared>> -> memref<10008x16xf32, #tpu.memory_space<vmem_shared>>
      tpu.wait_indirect_dma semaphore(%arg24 : memref<!tpu.dma_semaphore, #tpu.memory_space<semaphore_mem>>) src(%dma_wait3A_187 : memref<10008x16xf32, #tpu.memory_space<vmem_shared>>) dst(%arg16 : memref<128x16xf32, #tpu.memory_space<vmem>>)
      "tpu.region"() ({
        %run_scoped3A = tpu.sem_alloc : memref<!tpu.dma_semaphore, #tpu.memory_space<semaphore_mem>>
        %dma_start3A_195 = arith.constant 0 : i32
        %dma_start3A_196 = tpu.memref_slice %arg8[%add3A_181, %dma_start3A_195] : memref<80x128xi32, #tpu.memory_space<vmem>> -> memref<1x128xi32, #tpu.memory_space<vmem>>
        %dma_start3A_197 = tpu.memref_squeeze %dma_start3A_196 : memref<1x128xi32, #tpu.memory_space<vmem>> -> memref<128xi32, #tpu.memory_space<vmem>>
        %dma_start3A_198 = arith.constant 0 : i32
        %dma_start3A_199 = arith.constant 0 : i32
        %dma_start3A_200 = tpu.memref_slice %arg25[%dma_start3A_198, %dma_start3A_199] : memref<10008x16xf32, #tpu.memory_space<vmem_shared>> -> memref<10008x16xf32, #tpu.memory_space<vmem_shared>>
        tpu.enqueue_indirect_dma source(%arg16 : memref<128x16xf32, #tpu.memory_space<vmem>>) target(%dma_start3A_200 : memref<10008x16xf32, #tpu.memory_space<vmem_shared>>) offsets(%dma_start3A_197 : memref<128xi32, #tpu.memory_space<vmem>>) semaphore(%run_scoped3A : memref<!tpu.dma_semaphore, #tpu.memory_space<semaphore_mem>>) {add = true}
        %dma_wait3A_201 = arith.constant 0 : i32
        %dma_wait3A_202 = tpu.memref_slice %arg8[%add3A_181, %dma_wait3A_201] : memref<80x128xi32, #tpu.memory_space<vmem>> -> memref<1x128xi32, #tpu.memory_space<vmem>>
        %dma_wait3A_203 = tpu.memref_squeeze %dma_wait3A_202 : memref<1x128xi32, #tpu.memory_space<vmem>> -> memref<128xi32, #tpu.memory_space<vmem>>
        %dma_wait3A_204 = arith.constant 0 : i32
        %dma_wait3A_205 = arith.constant 0 : i32
        %dma_wait3A_206 = tpu.memref_slice %arg25[%dma_wait3A_204, %dma_wait3A_205] : memref<10008x16xf32, #tpu.memory_space<vmem_shared>> -> memref<10008x16xf32, #tpu.memory_space<vmem_shared>>
        tpu.wait_indirect_dma semaphore(%run_scoped3A : memref<!tpu.dma_semaphore, #tpu.memory_space<semaphore_mem>>) src(%arg16 : memref<128x16xf32, #tpu.memory_space<vmem>>) dst(%dma_wait3A_206 : memref<10008x16xf32, #tpu.memory_space<vmem_shared>>)
        tpu.yield
      }) : () -> ()
      %add3A_188 = arith.constant 8 : i32
      %add3A_189 = arith.addi %add3A_181, %add3A_188 : i32
      %lt3A_190 = arith.constant 80 : i32
      %lt3A_191 = arith.cmpi slt, %add3A_189, %lt3A_190 : i32
      %convert_element_type3A_192 = arith.extui %lt3A_191 : i1 to i32
      %cond3A_193 = arith.constant 0 : i32
      %cond3A_194 = arith.cmpi ne, %convert_element_type3A_192, %cond3A_193 : i32
      scf.if %cond3A_194 {
        %add3A_195 = arith.constant 8 : i32
        %add3A_196 = arith.addi %add3A_181, %add3A_195 : i32
        %dma_start3A_197 = arith.constant 0 : i32
        %dma_start3A_198 = tpu.memref_slice %arg7[%add3A_196, %dma_start3A_197] : memref<80x128xi32, #tpu.memory_space<vmem>> -> memref<1x128xi32, #tpu.memory_space<vmem>>
        %dma_start3A_199 = tpu.memref_squeeze %dma_start3A_198 : memref<1x128xi32, #tpu.memory_space<vmem>> -> memref<128xi32, #tpu.memory_space<vmem>>
        %dma_start3A_200 = arith.constant 0 : i32
        %dma_start3A_201 = arith.constant 0 : i32
        %dma_start3A_202 = tpu.memref_slice %arg26[%dma_start3A_200, %dma_start3A_201] : memref<10008x16xf32, #tpu.memory_space<vmem_shared>> -> memref<10008x16xf32, #tpu.memory_space<vmem_shared>>
        tpu.enqueue_indirect_dma source(%dma_start3A_202 : memref<10008x16xf32, #tpu.memory_space<vmem_shared>>) target(%arg16 : memref<128x16xf32, #tpu.memory_space<vmem>>) offsets(%dma_start3A_199 : memref<128xi32, #tpu.memory_space<vmem>>) semaphore(%arg24 : memref<!tpu.dma_semaphore, #tpu.memory_space<semaphore_mem>>)
      } else {
      }
    }
    %scan3A_67 = arith.constant 10 : i32
    %barrier3A_68 = arith.constant 0 : index
    tpu.barrier barrier_id(%barrier3A_68)
    %eq3A_69 = arith.constant 0 : i32
    %eq3A_70 = arith.cmpi eq, %arg1, %eq3A_69 : i32
    %convert_element_type3A_71 = arith.extui %eq3A_70 : i1 to i32
    %cond3A_72 = arith.constant 0 : i32
    %cond3A_73 = arith.cmpi ne, %convert_element_type3A_71, %cond3A_72 : i32
    scf.if %cond3A_73 {
      "tpu.region"() ({
        %run_scoped3A = tpu.sem_alloc : memref<!tpu.dma_semaphore, #tpu.memory_space<semaphore_mem>>
        %dma_start3A_74 = arith.constant 0 : i32
        %dma_start3A_75 = arith.constant 0 : i32
        %dma_start3A_76 = tpu.memref_slice %arg6[%arg0, %dma_start3A_74, %dma_start3A_75] : memref<2x10008x16xf32, #tpu.memory_space<hbm>> -> memref<1x10008x16xf32, #tpu.memory_space<hbm>>
        %dma_start3A_77 = tpu.memref_squeeze %dma_start3A_76 : memref<1x10008x16xf32, #tpu.memory_space<hbm>> -> memref<10008x16xf32, #tpu.memory_space<hbm>>
        tpu.enqueue_dma source(%arg25 : memref<10008x16xf32, #tpu.memory_space<vmem_shared>>) target(%dma_start3A_77 : memref<10008x16xf32, #tpu.memory_space<hbm>>) target_semaphore(%run_scoped3A : memref<!tpu.dma_semaphore, #tpu.memory_space<semaphore_mem>>)
        %dma_wait3A = arith.constant 0 : i32
        %dma_wait3A_78 = arith.constant 0 : i32
        %dma_wait3A_79 = tpu.memref_slice %arg6[%arg0, %dma_wait3A, %dma_wait3A_78] : memref<2x10008x16xf32, #tpu.memory_space<hbm>> -> memref<1x10008x16xf32, #tpu.memory_space<hbm>>
        %dma_wait3A_80 = tpu.memref_squeeze %dma_wait3A_79 : memref<1x10008x16xf32, #tpu.memory_space<hbm>> -> memref<10008x16xf32, #tpu.memory_space<hbm>>
        tpu.wait_dma2 semaphore(%run_scoped3A : memref<!tpu.dma_semaphore, #tpu.memory_space<semaphore_mem>>) src(%arg25 : memref<10008x16xf32, #tpu.memory_space<vmem_shared>>) dst(%dma_wait3A_80 : memref<10008x16xf32, #tpu.memory_space<hbm>>)
        tpu.yield
      }) : () -> ()
    } else {
    }
    return
  }
}

module attributes {stable_mosaic.version = 14 : i64} {
  func.func @_tc_prep_body(%arg0: memref<2x10008x16xf32, #tpu.memory_space<vmem>>, %arg1: memref<10000x128xf32, #tpu.memory_space<vmem>>, %arg2: memref<128x2xf32, #tpu.memory_space<vmem>>, %arg3: memref<10008x16xf32, #tpu.memory_space<vmem>>, %arg4: memref<10000x1xf32, #tpu.memory_space<vmem>>) attributes {dimension_semantics = [], scalar_prefetch = 0 : i64, scratch_operands = 0 : i64, tpu.core_type = #tpu.core_type<tc>} {
    %get3A = arith.constant 0 : index
    %get3A_0 = arith.constant 0 : index
    %get3A_1 = arith.constant 0 : index
    %get3A_2 = vector.load %arg0[%get3A, %get3A_0, %get3A_1] : memref<2x10008x16xf32, #tpu.memory_space<vmem>>, vector<1x10000x1xf32>
    %get3A_3 = vector.shape_cast %get3A_2 : vector<1x10000x1xf32> to vector<10000x1xf32>
    %get3A_4 = arith.constant 1 : index
    %get3A_5 = arith.constant 0 : index
    %get3A_6 = arith.constant 0 : index
    %get3A_7 = vector.load %arg0[%get3A_4, %get3A_5, %get3A_6] : memref<2x10008x16xf32, #tpu.memory_space<vmem>>, vector<1x10000x1xf32>
    %get3A_8 = vector.shape_cast %get3A_7 : vector<1x10000x1xf32> to vector<10000x1xf32>
    %add3A = arith.addf %get3A_3, %get3A_8 : vector<10000x1xf32>
    %add3A_9 = arith.constant 1.000000e+00 : f32
    %add3A_10 = vector.broadcast %add3A_9 : f32 to vector<10000x1xf32>
    %add3A_11 = arith.addf %add3A, %add3A_10 : vector<10000x1xf32>
    %rsqrt3A = math.rsqrt %add3A_11 : vector<10000x1xf32>
    %get3A_12 = arith.constant 0 : index
    %get3A_13 = arith.constant 0 : index
    %get3A_14 = vector.load %arg1[%get3A_12, %get3A_13] : memref<10000x128xf32, #tpu.memory_space<vmem>>, vector<10000x128xf32>
    %get3A_15 = arith.constant 0 : index
    %get3A_16 = arith.constant 0 : index
    %get3A_17 = vector.load %arg2[%get3A_15, %get3A_16] : memref<128x2xf32, #tpu.memory_space<vmem>>, vector<128x2xf32>
    %dot_general3A = arith.constant dense<0.000000e+00> : vector<10000x2xf32>
    %dot_general3A_18 = tpu.matmul %get3A_14, %get3A_17, %dot_general3A {dimension_numbers = #tpu.dot_dimension_numbers<[1], [0], [0], [1], [0, 0, 1, 1], [], []>, transpose_lhs_hint = false} : vector<10000x128xf32>, vector<128x2xf32>, vector<10000x2xf32> -> vector<10000x2xf32>
    %broadcast_in_dim3A = arith.constant 0.000000e+00 : f32
    %broadcast_in_dim3A_19 = vector.broadcast %broadcast_in_dim3A : f32 to vector<10008x16xf32>
    %swap3A = arith.constant 0 : index
    %swap3A_20 = arith.constant 0 : index
    %swap3A_21 = vector.load %arg3[%swap3A, %swap3A_20] : memref<10008x16xf32, #tpu.memory_space<vmem>>, vector<10008x16xf32>
    tpu.vector_store %arg3[%swap3A, %swap3A_20], %broadcast_in_dim3A_19 {strides = array<i32>} : memref<10008x16xf32, #tpu.memory_space<vmem>>, vector<10008x16xf32>,
    %mul3A = vector.broadcast %rsqrt3A : vector<10000x1xf32> to vector<10000x2xf32>
    %mul3A_22 = arith.mulf %dot_general3A_18, %mul3A : vector<10000x2xf32>
    %swap3A_23 = arith.constant 0 : index
    %swap3A_24 = arith.constant 0 : index
    %swap3A_25 = vector.load %arg3[%swap3A_23, %swap3A_24] : memref<10008x16xf32, #tpu.memory_space<vmem>>, vector<10000x2xf32>
    tpu.vector_store %arg3[%swap3A_23, %swap3A_24], %mul3A_22 {strides = array<i32>} : memref<10008x16xf32, #tpu.memory_space<vmem>>, vector<10000x2xf32>,
    %swap3A_26 = arith.constant 0 : index
    %swap3A_27 = arith.constant 0 : index
    %swap3A_28 = vector.load %arg4[%swap3A_26, %swap3A_27] : memref<10000x1xf32, #tpu.memory_space<vmem>>, vector<10000x1xf32>
    tpu.vector_store %arg4[%swap3A_26, %swap3A_27], %rsqrt3A {strides = array<i32>} : memref<10000x1xf32, #tpu.memory_space<vmem>>, vector<10000x1xf32>,
    return
  }
}

module attributes {stable_mosaic.version = 14 : i64} {
  func.func @_tc_mid_body(%arg0: memref<2x10008x16xf32, #tpu.memory_space<vmem>>, %arg1: memref<10008x16xf32, #tpu.memory_space<vmem>>, %arg2: memref<10000x1xf32, #tpu.memory_space<vmem>>, %arg3: memref<1x2xf32, #tpu.memory_space<vmem>>, %arg4: memref<10008x16xf32, #tpu.memory_space<vmem>>) attributes {dimension_semantics = [], scalar_prefetch = 0 : i64, scratch_operands = 0 : i64, tpu.core_type = #tpu.core_type<tc>} {
    %get3A = arith.constant 0 : index
    %get3A_0 = arith.constant 0 : index
    %get3A_1 = arith.constant 0 : index
    %get3A_2 = vector.load %arg0[%get3A, %get3A_0, %get3A_1] : memref<2x10008x16xf32, #tpu.memory_space<vmem>>, vector<1x10000x2xf32>
    %get3A_3 = vector.shape_cast %get3A_2 : vector<1x10000x2xf32> to vector<10000x2xf32>
    %get3A_4 = arith.constant 1 : index
    %get3A_5 = arith.constant 0 : index
    %get3A_6 = arith.constant 0 : index
    %get3A_7 = vector.load %arg0[%get3A_4, %get3A_5, %get3A_6] : memref<2x10008x16xf32, #tpu.memory_space<vmem>>, vector<1x10000x2xf32>
    %get3A_8 = vector.shape_cast %get3A_7 : vector<1x10000x2xf32> to vector<10000x2xf32>
    %add3A = arith.addf %get3A_3, %get3A_8 : vector<10000x2xf32>
    %get3A_9 = arith.constant 0 : index
    %get3A_10 = arith.constant 0 : index
    %get3A_11 = vector.load %arg1[%get3A_9, %get3A_10] : memref<10008x16xf32, #tpu.memory_space<vmem>>, vector<10000x2xf32>
    %add3A_12 = arith.addf %add3A, %get3A_11 : vector<10000x2xf32>
    %get3A_13 = arith.constant 0 : index
    %get3A_14 = arith.constant 0 : index
    %get3A_15 = vector.load %arg2[%get3A_13, %get3A_14] : memref<10000x1xf32, #tpu.memory_space<vmem>>, vector<10000x1xf32>
    %mul3A = vector.broadcast %get3A_15 : vector<10000x1xf32> to vector<10000x2xf32>
    %mul3A_16 = arith.mulf %mul3A, %add3A_12 : vector<10000x2xf32>
    %get3A_17 = arith.constant 0 : index
    %get3A_18 = arith.constant 0 : index
    %get3A_19 = vector.load %arg3[%get3A_17, %get3A_18] : memref<1x2xf32, #tpu.memory_space<vmem>>, vector<1x2xf32>
    %add3A_20 = vector.broadcast %get3A_19 : vector<1x2xf32> to vector<10000x2xf32>
    %add3A_21 = arith.addf %mul3A_16, %add3A_20 : vector<10000x2xf32>
    %max3A = arith.constant 0.000000e+00 : f32
    %max3A_22 = vector.broadcast %max3A : f32 to vector<10000x2xf32>
    %max3A_23 = arith.maximumf %add3A_21, %max3A_22 : vector<10000x2xf32>
    %broadcast_in_dim3A = arith.constant 0.000000e+00 : f32
    %broadcast_in_dim3A_24 = vector.broadcast %broadcast_in_dim3A : f32 to vector<10008x16xf32>
    %swap3A = arith.constant 0 : index
    %swap3A_25 = arith.constant 0 : index
    %swap3A_26 = vector.load %arg4[%swap3A, %swap3A_25] : memref<10008x16xf32, #tpu.memory_space<vmem>>, vector<10008x16xf32>
    tpu.vector_store %arg4[%swap3A, %swap3A_25], %broadcast_in_dim3A_24 {strides = array<i32>} : memref<10008x16xf32, #tpu.memory_space<vmem>>, vector<10008x16xf32>,
    %get3A_27 = arith.constant 0 : index
    %get3A_28 = arith.constant 0 : index
    %get3A_29 = vector.load %arg2[%get3A_27, %get3A_28] : memref<10000x1xf32, #tpu.memory_space<vmem>>, vector<10000x1xf32>
    %mul3A_30 = vector.broadcast %get3A_29 : vector<10000x1xf32> to vector<10000x2xf32>
    %mul3A_31 = arith.mulf %mul3A_30, %max3A_23 : vector<10000x2xf32>
    %swap3A_32 = arith.constant 0 : index
    %swap3A_33 = arith.constant 0 : index
    %swap3A_34 = vector.load %arg4[%swap3A_32, %swap3A_33] : memref<10008x16xf32, #tpu.memory_space<vmem>>, vector<10000x2xf32>
    tpu.vector_store %arg4[%swap3A_32, %swap3A_33], %mul3A_31 {strides = array<i32>} : memref<10008x16xf32, #tpu.memory_space<vmem>>, vector<10000x2xf32>,
    return
  }
}

module attributes {stable_mosaic.version = 14 : i64} {
  func.func @_tc_final_body(%arg0: memref<2x10008x16xf32, #tpu.memory_space<vmem>>, %arg1: memref<10008x16xf32, #tpu.memory_space<vmem>>, %arg2: memref<10000x1xf32, #tpu.memory_space<vmem>>, %arg3: memref<2x128xf32, #tpu.memory_space<vmem>>, %arg4: memref<1x128xf32, #tpu.memory_space<vmem>>, %arg5: memref<10000x128xf32, #tpu.memory_space<vmem>>) attributes {dimension_semantics = [], scalar_prefetch = 0 : i64, scratch_operands = 0 : i64, tpu.core_type = #tpu.core_type<tc>} {
    %get3A = arith.constant 0 : index
    %get3A_0 = arith.constant 0 : index
    %get3A_1 = vector.load %arg2[%get3A, %get3A_0] : memref<10000x1xf32, #tpu.memory_space<vmem>>, vector<10000x1xf32>
    %get3A_2 = arith.constant 0 : index
    %get3A_3 = arith.constant 0 : index
    %get3A_4 = arith.constant 0 : index
    %get3A_5 = vector.load %arg0[%get3A_2, %get3A_3, %get3A_4] : memref<2x10008x16xf32, #tpu.memory_space<vmem>>, vector<1x10000x2xf32>
    %get3A_6 = vector.shape_cast %get3A_5 : vector<1x10000x2xf32> to vector<10000x2xf32>
    %get3A_7 = arith.constant 1 : index
    %get3A_8 = arith.constant 0 : index
    %get3A_9 = arith.constant 0 : index
    %get3A_10 = vector.load %arg0[%get3A_7, %get3A_8, %get3A_9] : memref<2x10008x16xf32, #tpu.memory_space<vmem>>, vector<1x10000x2xf32>
    %get3A_11 = vector.shape_cast %get3A_10 : vector<1x10000x2xf32> to vector<10000x2xf32>
    %add3A = arith.addf %get3A_6, %get3A_11 : vector<10000x2xf32>
    %get3A_12 = arith.constant 0 : index
    %get3A_13 = arith.constant 0 : index
    %get3A_14 = vector.load %arg1[%get3A_12, %get3A_13] : memref<10008x16xf32, #tpu.memory_space<vmem>>, vector<10000x2xf32>
    %add3A_15 = arith.addf %add3A, %get3A_14 : vector<10000x2xf32>
    %mul3A = vector.broadcast %get3A_1 : vector<10000x1xf32> to vector<10000x2xf32>
    %mul3A_16 = arith.mulf %mul3A, %add3A_15 : vector<10000x2xf32>
    %get3A_17 = arith.constant 0 : index
    %get3A_18 = arith.constant 0 : index
    %get3A_19 = vector.load %arg3[%get3A_17, %get3A_18] : memref<2x128xf32, #tpu.memory_space<vmem>>, vector<2x128xf32>
    %dot_general3A = arith.constant dense<0.000000e+00> : vector<10000x128xf32>
    %dot_general3A_20 = tpu.matmul %mul3A_16, %get3A_19, %dot_general3A {dimension_numbers = #tpu.dot_dimension_numbers<[1], [0], [0], [1], [0, 0, 1, 1], [], []>, transpose_lhs_hint = false} : vector<10000x2xf32>, vector<2x128xf32>, vector<10000x128xf32> -> vector<10000x128xf32>
    %get3A_21 = arith.constant 0 : index
    %get3A_22 = arith.constant 0 : index
    %get3A_23 = vector.load %arg4[%get3A_21, %get3A_22] : memref<1x128xf32, #tpu.memory_space<vmem>>, vector<1x128xf32>
    %add3A_24 = vector.broadcast %get3A_23 : vector<1x128xf32> to vector<10000x128xf32>
    %add3A_25 = arith.addf %dot_general3A_20, %add3A_24 : vector<10000x128xf32>
    %reduce_max3A = arith.constant dense<0xFF800000> : vector<10000xf32>
    %reduce_max3A_26 = vector.multi_reduction <maximumf>, %add3A_25, %reduce_max3A [1] : vector<10000x128xf32> to vector<10000xf32>
    %broadcast_in_dim3A = vector.shape_cast %reduce_max3A_26 : vector<10000xf32> to vector<10000x1xf32>
    %sub3A = vector.broadcast %broadcast_in_dim3A : vector<10000x1xf32> to vector<10000x128xf32>
    %sub3A_27 = arith.subf %add3A_25, %sub3A : vector<10000x128xf32>
    %exp3A = math.exp %sub3A_27 : vector<10000x128xf32>
    %sub3A_28 = vector.broadcast %broadcast_in_dim3A : vector<10000x1xf32> to vector<10000x128xf32>
    %sub3A_29 = arith.subf %add3A_25, %sub3A_28 : vector<10000x128xf32>
    %reduce_sum3A = arith.constant dense<0.000000e+00> : vector<10000xf32>
    %reduce_sum3A_30 = vector.multi_reduction <add>, %exp3A, %reduce_sum3A [1] : vector<10000x128xf32> to vector<10000xf32>
    %broadcast_in_dim3A_31 = vector.shape_cast %reduce_sum3A_30 : vector<10000xf32> to vector<10000x1xf32>
    %log3A = math.log %broadcast_in_dim3A_31 : vector<10000x1xf32>
    %sub3A_32 = vector.broadcast %log3A : vector<10000x1xf32> to vector<10000x128xf32>
    %sub3A_33 = arith.subf %sub3A_29, %sub3A_32 : vector<10000x128xf32>
    %swap3A = arith.constant 0 : index
    %swap3A_34 = arith.constant 0 : index
    %swap3A_35 = vector.load %arg5[%swap3A, %swap3A_34] : memref<10000x128xf32, #tpu.memory_space<vmem>>, vector<10000x128xf32>
    tpu.vector_store %arg5[%swap3A, %swap3A_34], %sub3A_33 {strides = array<i32>} : memref<10000x128xf32, #tpu.memory_space<vmem>>, vector<10000x128xf32>,
    return
  }
}

</mosaic_0001>

<sc_bundles>
// kernel: kernel.11.cloned.1.call-start
scs
__scs_entry_jumppad:
0x0: {  	(pc) =	sbr.rel $0x88, $3  }
0x1: {  	(tag) =	ssettag $0x0;
	lr =	simm.s32 $0x1  }
0x2: {  	[smem:$0x3F9B] =	sst lr;
	_ =	strace $0xD0000000  }
0x3: {  	_ = 	snop  }
0x4: {  	_ = 	snop  }
0x5: {  	_ = 	snop  }
0x6: {  	_ = 	snop  }
0x7: {  	_ = 	snop  }
__scs_overlays_trampoline_lowered:
0x8: {  	[smem:$0x3FAA] =	sst s0  }
0x9: {  	[smem:$0x3FAB] =	sst s1  }
0xa: {  	[smem:$0x3FAC] =	sst s2  }
0xb: {  	[smem:$0x3FAD] =	sst s3  }
0xc: {  	[smem:$0x3FAE] =	sst s4  }
0xd: {  	[smem:$0x3FAF] =	sst s5  }
0xe: {  	[smem:$0x3FB0] =	sst s6  }
0xf: {  	[smem:$0x3FB1] =	sst s7  }
0x10: {  	[smem:$0x3FB2] =	sst s8  }
0x11: {  	[smem:$0x3FB3] =	sst s9;
	s0 =	simm.s32 @!p0 $0x0  }
0x12: {  	s1 =	sld [smem:$0x3F99];
	s0 =	simm.s32 @p0 $0x1  }
0x13: {  	[smem:$0x3FB4] =	sst s0;
	s0 =	simm.s32 @!p1 $0x0  }
0x14: {  	s2 =	sld [smem:$0x3F98];
	s0 =	simm.s32 @p1 $0x1  }
0x15: {  	[smem:$0x3FB5] =	sst s0;
	s0 =	simm.s32 @!p2 $0x0  }
0x16: {  	s3 =	sld [smem:$0x3FDB];
	s0 =	simm.s32 @p2 $0x1  }
0x17: {  	s4 =	simm.s32 $0x1BF5;
	[smem:$0x3FB7] =	sst s0  }
0x18: {  	s0 =	sld [smem:$0x3F9A];
	_ =	swait.ge [sflag:s4], $0x0  }
0x19: {  	s7 =	sld [smem:$0x3F9B]  }
0x1a: {  	s8 =	sadd.s32 $0xFFFFE003, lr  }
0x1b: {  	s9 =	sadd.s32 $0xFFFFFEF7, lr;
	s5 =	simm.s32 $0xFFFFFFFF;
	p2 =	slt.u32 s8, $0xFFFFF086  }
0x1c: {  	p1 =	slt.u32 s9, $0xF7A;
	s5 =	simm.s32 @!p2 $0x0  }
0x1d: {  	s5 =	simm.s32 @p1 $0x1;
	p0 =	seq.s32 s7, s2  }
0x1e: {  	s7 =	smul.u32 @!p0 $0xF7A, s2;
	p2 =	seq.s32 @!p0 s5, $0x0  }
0x1f: {  	s9 =	smul.u32 $0xF7A, s1;
	s8 =	simm.s32 @!p0 $0x1BF5;
	p2 =	por !p2, p0  }
0x20: {  	[sflag:s8] =	ssyncset.s32 @!p0 $0xFFFFF086;
	s6 =	sadd.s32 @!p0 s3, s7;
	s7 =	simm.s32 @!p0 $0x108  }
0x21: {  	s3 =	sadd.s32 s3, s9;
	s6 =	sadd.s32 @!p0 $0x88, s6;
	s7 =	simm.s32 @p2 $0x1082  }
0x22: {  	[simem:s7], [sflag:s8] =	dma.local @!p0 [hbm:s6], $0xF7A  }
0x23: {  	s9 =	sor.u32 $0xD0000000, s2;
	s6 =	simm.s32 $0x108;
	_ =	swait.ge @!p0 [sflag:s8], $0x0  }
0x24: {  	s3 =	sadd.s32 $0x88, s3;
	s6 =	simm.s32 @!p1 $0x1082;
	[sflag:s4] =	ssyncset.s32 $0xFFFFF086  }
0x25: {  	[simem:s6], [sflag:s4] =	dma.local [hbm:s3], $0xF7A  }
0x26: {  	[smem:$0x3F9B] =	sst s1;
	(tag) =	ssettag s2;
	_ =	strace s9  }
0x27: {  	s1 =	sld [smem:$0x3FAB]  }
0x28: {  	s2 =	sld [smem:$0x3FAC]  }
0x29: {  	s4 =	sld [smem:$0x3FAE]  }
0x2a: {  	p0 =	seq.s32 s5, $0x0;
	s5 =	sld [smem:$0x3FAF]  }
0x2b: {  	s6 =	sld [smem:$0x3FB0]  }
0x2c: {  	s7 =	sld [smem:$0x3FB1]  }
0x2d: {  	s3 =	simm.s32 $0x108;
	s8 =	sld [smem:$0x3FB2]  }
0x2e: {  	s3 =	simm.s32 @!p0 $0x1082;
	s9 =	sld [smem:$0x3FB3]  }
0x2f: {  	lr =	sadd.s32 s0, s3;
	s0 =	sld [smem:$0x3FAA]  }
0x30: {  	s3 =	sld [smem:$0x3FAD]  }
0x31: {  	[smem:$0x3FB6] =	sst s10  }
0x32: {  	s10 =	sld [smem:$0x3FB4];
	_ =	sdelay $0x3  }
0x33: {  	p0 =	seq.s32 s10, $0x1;
	s10 =	sld [smem:$0x3FB6];
	_ =	sdelay $0x3  }
0x34: {  	[smem:$0x3FB6] =	sst s10  }
0x35: {  	s10 =	sld [smem:$0x3FB5];
	_ =	sdelay $0x3  }
0x36: {  	p1 =	seq.s32 s10, $0x1;
	s10 =	sld [smem:$0x3FB6];
	_ =	sdelay $0x3  }
0x37: {  	[smem:$0x3FB6] =	sst s10  }
0x38: {  	s10 =	sld [smem:$0x3FB7]  }
0x39: {  	_ = 	snop;
	(pc) =	sbr.ind lr, $3  }
0x3a: {  	_ = 	snop  }
0x3b: {  	_ = 	snop  }
0x3c: {  	p2 =	seq.s32 s10, $0x1;
	s10 =	sld [smem:$0x3FB6]  }
0x3d: {  	_ =	shalt  }
0x3e: {  	_ =	shalt  }
0x3f: {  	_ =	shalt  }
0x40: {  	_ =	shalt  }
0x41: {  	_ =	shalt  }
0x42: {  	_ =	shalt  }
0x43: {  	_ =	shalt  }
0x44: {  	_ =	shalt  }
0x45: {  	_ =	shalt  }
0x46: {  	_ =	shalt  }
0x47: {  	_ =	shalt  }
0x48: {  	_ =	shalt  }
0x49: {  	_ =	shalt  }
0x4a: {  	_ =	shalt  }
0x4b: {  	_ =	shalt  }
0x4c: {  	_ =	shalt  }
0x4d: {  	_ =	shalt  }
0x4e: {  	_ =	shalt  }
0x4f: {  	_ =	shalt  }
0x50: {  	_ =	shalt  }
0x51: {  	_ =	shalt  }
0x52: {  	_ =	shalt  }
0x53: {  	_ =	shalt  }
0x54: {  	_ =	shalt  }
0x55: {  	_ =	shalt  }
0x56: {  	_ =	shalt  }
0x57: {  	_ =	shalt  }
0x58: {  	_ =	shalt  }
0x59: {  	_ =	shalt  }
0x5a: {  	_ =	shalt  }
0x5b: {  	_ =	shalt  }
0x5c: {  	_ =	shalt  }
0x5d: {  	_ =	shalt  }
0x5e: {  	_ =	shalt  }
0x5f: {  	_ =	shalt  }
0x60: {  	_ =	shalt  }
0x61: {  	_ =	shalt  }
0x62: {  	_ =	shalt  }
0x63: {  	_ =	shalt  }
0x64: {  	_ =	shalt  }
0x65: {  	_ =	shalt  }
0x66: {  	_ =	shalt  }
0x67: {  	_ =	shalt  }
0x68: {  	_ =	shalt  }
0x69: {  	_ =	shalt  }
0x6a: {  	_ =	shalt  }
0x6b: {  	_ =	shalt  }
0x6c: {  	_ =	shalt  }
0x6d: {  	_ =	shalt  }
0x6e: {  	_ =	shalt  }
0x6f: {  	_ =	shalt  }
0x70: {  	_ =	shalt  }
0x71: {  	_ =	shalt  }
0x72: {  	_ =	shalt  }
0x73: {  	_ =	shalt  }
0x74: {  	_ =	shalt  }
0x75: {  	_ =	shalt  }
0x76: {  	_ =	shalt  }
0x77: {  	_ =	shalt  }
0x78: {  	_ =	shalt  }
0x79: {  	_ =	shalt  }
0x7a: {  	_ =	shalt  }
0x7b: {  	_ =	shalt  }
0x7c: {  	_ =	shalt  }
0x7d: {  	_ =	shalt  }
0x7e: {  	_ =	shalt  }
0x7f: {  	_ =	shalt  }
0x80: {  	_ =	shalt  }
0x81: {  	_ =	shalt  }
0x82: {  	_ =	shalt  }
0x83: {  	_ =	shalt  }
0x84: {  	_ =	shalt  }
0x85: {  	_ =	shalt  }
0x86: {  	_ =	shalt  }
0x87: {  	_ =	shalt  }
.Lfunc_end0:
.L_simem_size_0:
called_computation.1_lowered:
.L_overlay_start_0:
0x88: {  	s2 =	sld [smem:$0x3FD9]  }
0x89: {  	s3 =	sld [smem:$0x3FFE];
	_ =	sdelay $0x1  }
0x8a: {  	s1 =	srdreg.scid  }
0x8b: {  	s0 =	sand.u32 $0x1, s1  }
0x8c: {  	s17 =	sshll.u32 s0, $0xA;
	s2 =	sadd.s32 s3, s2  }
0x8d: {  	s2 =	sadd.s32 s2, s17  }
0x8e: {  	[smem:$0x3FC2] =	sst s2  }
0x8f: {  	_ = 	snop  }
0x90: {  	s2 =	sld [smem:$0x3FD0];
	(tm) =	ssettm $0x1  }
0x91: {  	s18 =	sld [smem:$0x3FFB];
	_ =	sdelay $0x3  }
0x92: {  	_ =	strace s18  }
0x93: {  	s3 =	sld [smem:$0x3FFC];
	_ =	sdelay $0x3  }
0x94: {  	_ =	strace s3  }
0x95: {  	s3 =	sld [smem:$0x3FFD];
	_ =	sdelay $0x3  }
0x96: {  	_ =	strace s3  }
0x97: {  	_ =	strace $0x8FFFFFFF  }
0x98: {  	s19 =	sld [smem:$0x3FDB];
	_ =	sdelay $0x1  }
0x99: {  	s4 =	simm.s32 $_scs_section_size  }
0x9a: {  	s5 =	simm.s32 $_size__tile_overlayer_lowered;
	s6 =	simm.s32 $_tile_overlayer_lowered  }
0x9b: {  	s22 =	simm.s32 $0x1BFF;
	s21 =	sshll.u32 s6, $0x1;
	s3 =	sadd.s32 s4, s19  }
0x9c: {  	s7 =	simm.s32 $0x0;
	s20 =	sshll.u32 s5, $0x1;
	s5 =	sadd.s32 s21, s3  }
0x9d: {  	[timem:s7], [sflag:s22] =	dma.local [hbm:s5], s20  }
0x9e: {  	_ =	swait.ge [sflag:s22], s20  }
0x9f: {  	s4 =	ssub.s32 $0x0, s20;
	[sflag:s22] =	ssyncset.done $0x0  }
0xa0: {  	[sflag:s22] =	ssyncadd.s32 s4;
	_ =	sdelay $0x1  }
0xa1: {  	s23 =	simm.s32 $0x1B8B  }
0xa2: {  	_ =	swait.ge [sflag:s23], $0x1  }
0xa3: {  	[sflag:s23] =	ssyncset.done $0x0  }
0xa4: {  	s25 =	simm.s32 $0x1B8E;
	s24 =	sld [smem:$0x3FFE];
	[sflag:s23] =	ssyncadd.s32 $0xFFFFFFFF  }
0xa5: {  	s26 =	simm.s32 $execute0_lowered;
	[smem:$0x3FD2] =	sst s25  }
0xa6: {  	s5 =	sshll.u32 s26, $0x1;
	_ =	strace $0x80000049;
	[dreg:$0x1] =	wrdreg $0xFFFFFFFF  }
0xa7: {  	s28 =	simm.s32 $_size_execute0_lowered;
	s3 =	sadd.s32 s3, s5;
	[dreg:$0x0] =	wrdreg $0x0  }
0xa8: {  	s5 =	sshll.u32 s28, $0x1;
	[dreg:$0x2] =	wrdreg s3  }
0xa9: {  	[dreg:$0x3] =	wrdreg s5  }
0xaa: {  	[dreg:$0x4] =	wrdreg $0xC0  }
0xab: {  	_ =	task [dreg:s7], $0x5FFFF  }
0xac: {  	[dreg:$0x1] =	wrdreg $0xFFFFFFFF  }
0xad: {  	[dreg:$0x0] =	wrdreg $0x60  }
0xae: {  	[dreg:$0x2] =	wrdreg s24  }
0xaf: {  	[dreg:$0x3] =	wrdreg s2  }
0xb0: {  	[dreg:$0x4] =	wrdreg $0x90000  }
0xb1: {  	[dreg:$0x5] =	wrdreg $0xB7180  }
0xb2: {  	[dreg:$0x6] =	wrdreg $0x9  }
0xb3: {  	_ =	task.clear_ibuf [dreg:s7], $0x7FFFF;
	_ =	strace $0x90000049  }
0xb4: {  	s29 =	simm.s32 $0x9;
	_ =	strace $0x8000004B  }
0xb5: {  	_ =	swait.ge [sflag:s29], $0x1  }
0xb6: {  	[sflag:s29] =	ssyncadd.s32 $0xFFFFFFFF  }
0xb7: {  	_ =	strace $0x9000004B  }
0xb8: {  	_ =	sfence  }
0xb9: {  	s30 =	sld [smem:$0x0];
	_ =	sdelay $0x2  }
0xba: {  	s31 =	sshll.u32 s1, $0xD;
	s1 =	sshrl.u32 s1, $0x2  }
0xbb: {  	s3 =	sand.u32 $0x4000, s31;
	s1 =	sadd.s32 s1, s30  }
0xbc: {  	s0 =	sor.u32 s3, s0;
	s1 =	sshll.u32 s1, $0x11  }
0xbd: {  	s0 =	sor.u32 s1, s0  }
0xbe: {  	s0 =	sadd.s32 $0x8F2B, s0  }
0xbf: {  	[sflag:s0] =	ssyncadd.remote.s32 $0x1  }
0xc0: {  	_ =	sfence.sel $0xFFFF  }
0xc1: {  	[dreg:$0x0] =	wrdreg $0xFFFFFFFF;
	(pc) =	sbr.abs _section_cstart, $3  }
0xc2: {  	[dreg:$0x1] =	wrdreg $0xFFFFFFFF  }
0xc3: {  	_ =	task.clear_ibuf [dreg:s7], $0x2FFFF;
	_ =	strace $0x9FFFFFFF  }
0xc4: {  	(tm) =	ssettm $0x7FFFFFFF  }
0xc5: {  	_ =	shalt  }
tec
execute0_lowered:
.L_overlay_start_1:
0x0: {  	(tag) =	ssettag $0x1  }
0x1: {  	s0 =	rddreg [dreg:$0x0]  }
0x2: {  	s4 =	rddreg [dreg:$0x1]  }
0x3: {  	s1 =	rddreg [dreg:$0x2]  }
0x4: {  	s2 =	rddreg [dreg:$0x3]  }
0x5: {  	s3 =	srdreg.scid;
	s10 =	stileid.u32;
	s12 =	simm.s32 $0x9  }
0x6: {  	s14 =	simm.s32 $0x80;
	s15 =	simm.s32 $0x5000;
	s18 =	simm.s32 $0x6000  }
0x7: {  	s22 =	simm.s32 $0x7000;
	s28 =	simm.s32 $0x380;
	s29 =	simm.s32 $0x8800  }
0x8: {  	s30 =	simm.s32 $0x1;
	s31 =	simm.s32 $0x3;
	s11 =	simm.s32 $0x7  }
0x9: {  	s5 =	sand.u32 $0x1, s3;
	s3 =	simm.s32 $0x0;
	s7 =	sadd.s32 $0x10A00, s0  }
0xa: {  	s9 =	sadd.s32 $0xBA00, s0;
	p0 =	seq.s32 s10, $0x1;
	s26 =	sshrl.u32 s2, $0x3  }
0xb: {  	p1 =	sne.s32 s10, $0x0;
	s6 =	sshll.u32 s5, $0x4;
	[smem:$0x7FF] =	sst s3  }
0xc: {  	s24 =	smul.u32 $0x4E30, s5;
	s5 =	ssub.s32 $0x2, s5;
	s6 =	sor.u32 s10, s6  }
0xd: {  	_ =	strace $0x8000004A;
	[dreg:$0x5] =	wrdreg s7;
	s6 =	smul.u32 $0x500, s6  }
.Ltmp0:
0xe: {  	[dreg:$0x6] =	wrdreg s9;
	s25 =	sshrl.u32 s5, $0x1;
	(pc) =	sbr.rel .LBB2_1-.Ltmp0, $4  }
0xf: {  	[dreg:$0x7] =	wrdreg s26;
	s26 =	simm.s32 $0x8000;
	s5 =	ssub.s32 s5, s25  }
0x10: {  	s25 =	simm.s32 $0x300;
	s9 =	smax.u32 s5, $0x1;
	s8 =	sadd.s32 s6, s0  }
0x11: {  	s0 =	sadd.s32 s24, s0;
	s6 =	sadd.s32 s4, s6;
	s4 =	simm.s32 $0x8  }
0x12: {  	s7 =	sadd.s32 $0x1800, s8;
	s8 =	sadd.s32 $0x15A00, s0;
	s0 =	simm.s32 $0x5  }
.LBB2_9:
0x13: {  	_ =	swait.ge [sflag:s4], $0x800  }
0x14: {  	[sflag:s4] =	ssyncset.done $0x0  }
0x15: {  	[sflag:s4] =	ssyncadd.s32 $0xFFFFF800  }
0x16: {  	[spmem:s1] =	stream.indirect.scatter.add.f32 [tilespmem:s29], [sflag:$0x9], $0x10, s13, s14, $0xb8;
	[tilespmem:$0xDE30] =	vst v63  }
0x17: {  	_ =	swait.ge [sflag:s12], $0x800  }
0x18: {  	[sflag:s12] =	ssyncset.done $0x0  }
0x19: {  	s5 =	sshrl.u32 @!p1 s1, $0x3;
	s3 =	sadd.s32 $0x1, s3;
	[sflag:s12] =	ssyncadd.s32 $0xFFFFF800  }
0x1a: {  	s10 =	simm.s32 @!p1 $0x1C09;
	p2 =	sne.s32 s3, s9;
	[bflag:$0x0] =	sbarrier.arrive $0xFFFF  }
0x1b: {  	[hbm:s8], [sflag:s10] =	dma.local @!p1 [spmem:s5], $0x4E30  }
.Ltmp1:
0x1c: {  	_ = 	snop;
	(pc) =	sbr.rel @!p2 .LBB2_10-.Ltmp1, $4  }
0x1d: {  	s5 =	simm.s32 @!p1 $0x9  }
0x1e: {  	_ =	swait.ge @!p1 [sflag:s5], $0x4E30  }
0x1f: {  	[sflag:s5] =	ssyncset.done @!p1 $0x0  }
0x20: {  	[sflag:s5] =	ssyncadd.s32 @!p1 $0xFFFFB1D0  }
.LBB2_1:
.Ltmp2:
0x21: {  	(pc) =	sbr.rel @p0 .LBB2_4-.Ltmp2, $1  }
0x22: {  	_ =	sdelay $0x3  }
.Ltmp3:
0x23: {  	(pc) =	sbr.rel @p1 .LBB2_6-.Ltmp3, $1  }
0x24: {  	_ =	sdelay $0x3  }
.Ltmp4:
0x25: {  	(pc) =	sbr.rel .LBB2_5-.Ltmp4, $3  }
0x26: {  	_ =	sdelay $0x1  }
0x27: {  	s5 =	sshrl.u32 s1, $0x3;
	s10 =	rddreg [dreg:$0x6];
	s13 =	simm.s32 $0x1C09  }
0x28: {  	[spmem:s5], [sflag:s13] =	dma.local [hbm:s10], $0x4E30  }
.LBB2_4:
0x29: {  	s5 =	rddreg [dreg:$0x5]  }
0x2a: {  	s10 =	rddreg [dreg:$0x7];
	s13 =	simm.s32 $0x1C49  }
0x2b: {  	[spmem:s10], [sflag:s13] =	dma.local [hbm:s5], $0x4E30  }
.LBB2_5:
0x2c: {  	_ =	swait.ge [sflag:s12], $0x4E30  }
0x2d: {  	[sflag:s12] =	ssyncset.done $0x0  }
0x2e: {  	[sflag:s12] =	ssyncadd.s32 $0xFFFFB1D0  }
.LBB2_6:
0x2f: {  	s5 =	simm.s32 $0x0  }
0x30: {  	[tilespmem:s5], [sflag:$0x9] =	stream.linear.gather [hbm4b:s6+s5], $0x2800, $0x38;
	[tilespmem:$0xDE30] =	vst v63  }
0x31: {  	_ =	swait.ge [sflag:s12], $0x2800  }
0x32: {  	[sflag:s12] =	ssyncset.done $0x0  }
0x33: {  	s10 =	simm.s32 $0x2800;
	[sflag:s12] =	ssyncadd.s32 $0xFFFFD800  }
0x34: {  	[tilespmem:s10], [sflag:$0x9] =	stream.linear.gather [hbm4b:s7+s5], $0x2800, $0x38;
	[tilespmem:$0xDE30] =	vst v63  }
0x35: {  	_ =	swait.ge [sflag:s12], $0x2800  }
0x36: {  	[sflag:s12] =	ssyncset.done $0x0  }
0x37: {  	[sflag:s12] =	ssyncadd.s32 $0xFFFFD800  }
0x38: {  	[bflag:$0x0] =	sbarrier.arrive $0xFFFF  }
0x39: {  	[tilespmem:s15], [sflag:$0x1] =	stream.indirect.gather [spmem:s2], $0x10, s5, s14, $0xb8;
	[tilespmem:$0xDE30] =	vst v63  }
0x3a: {  	s17 =	simm.s32 $0x5800  }
0x3b: {  	[tilespmem:s17], [sflag:$0x2] =	stream.indirect.gather [spmem:s2], $0x10, s14, s14, $0xb8;
	[tilespmem:$0xDE30] =	vst v63  }
0x3c: {  	s19 =	simm.s32 $0x100  }
0x3d: {  	[tilespmem:s18], [sflag:$0x3] =	stream.indirect.gather [spmem:s2], $0x10, s19, s14, $0xb8;
	[tilespmem:$0xDE30] =	vst v63  }
0x3e: {  	s20 =	simm.s32 $0x180;
	s13 =	simm.s32 $0x6800  }
0x3f: {  	[tilespmem:s13], [sflag:$0x4] =	stream.indirect.gather [spmem:s2], $0x10, s20, s14, $0xb8;
	[tilespmem:$0xDE30] =	vst v63  }
0x40: {  	s21 =	simm.s32 $0x200  }
0x41: {  	[tilespmem:s22], [sflag:$0x5] =	stream.indirect.gather [spmem:s2], $0x10, s21, s14, $0xb8;
	[tilespmem:$0xDE30] =	vst v63  }
0x42: {  	s23 =	simm.s32 $0x280;
	s24 =	simm.s32 $0x7800  }
0x43: {  	[tilespmem:s24], [sflag:$0x6] =	stream.indirect.gather [spmem:s2], $0x10, s23, s14, $0xb8;
	[tilespmem:$0xDE30] =	vst v63  }
0x44: {  	_ = 	snop  }
0x45: {  	[tilespmem:s26], [sflag:$0x7] =	stream.indirect.gather [spmem:s2], $0x10, s25, s14, $0xb8;
	[tilespmem:$0xDE30] =	vst v63  }
0x46: {  	_ = 	snop  }
0x47: {  	[tilespmem:s29], [sflag:$0x8] =	stream.indirect.gather [spmem:s2], $0x10, s28, s14, $0xb8;
	[tilespmem:$0xDE30] =	vst v63  }
.LBB2_7:
0x48: {  	_ =	swait.ge [sflag:s30], $0x800  }
0x49: {  	s10 =	sshra.s32 s5, $0x2;
	[sflag:s30] =	ssyncset.done $0x0  }
0x4a: {  	s13 =	sadd.s32 $0x2800, s10;
	[sflag:s30] =	ssyncadd.s32 $0xFFFFF800  }
0x4b: {  	[spmem:s1] =	stream.indirect.scatter.add.f32 [tilespmem:s15], [sflag:$0x9], $0x10, s13, s14, $0xb8;
	[tilespmem:$0xDE30] =	vst v63  }
0x4c: {  	_ =	swait.ge [sflag:s12], $0x800  }
0x4d: {  	p2 =	seq.s32 s5, $0x9000;
	[sflag:s12] =	ssyncset.done $0x0  }
0x4e: {  	s13 =	simm.s32 @p2 $0x2;
	[sflag:s12] =	ssyncadd.s32 $0xFFFFF800  }
0x4f: {  	s17 =	sshra.s32 @p2 s5, $0x2;
	_ =	swait.ge @p2 [sflag:s13], $0x800  }
0x50: {  	s19 =	simm.s32 @p2 $0x80;
	s16 =	simm.s32 @p2 $0x5800;
	[sflag:s13] =	ssyncset.done @p2 $0x0  }
0x51: {  	s20 =	simm.s32 @p2 $0x9;
	[sflag:s13] =	ssyncadd.s32 @p2 $0xFFFFF800;
	s13 =	sadd.s32 @p2 $0x2880, s17  }
0x52: {  	[spmem:s1] =	stream.indirect.scatter.add.f32 @p2 [tilespmem:s16], [sflag:$0x9], $0x10, s13, s19, $0xb8;
	[tilespmem:$0xDE30] =	vst v63  }
0x53: {  	_ =	swait.ge @p2 [sflag:s20], $0x800  }
0x54: {  	s23 =	simm.s32 @!p2 $0x5000;
	s13 =	sshra.s32 @!p2 s5, $0x2;
	[sflag:s20] =	ssyncset.done @p2 $0x0  }
0x55: {  	s16 =	simm.s32 @!p2 $0x80;
	s21 =	sadd.s32 @!p2 $0x400, s13;
	[sflag:s20] =	ssyncadd.s32 @p2 $0xFFFFF800  }
0x56: {  	[tilespmem:s23], [sflag:$0x1] =	stream.indirect.gather @!p2 [spmem:s2], $0x10, s21, s16, $0xb8;
	[tilespmem:$0xDE30] =	vst v63  }
0x57: {  	s21 =	simm.s32 @!p2 $0x2  }
0x58: {  	_ =	swait.ge @!p2 [sflag:s21], $0x800  }
0x59: {  	[sflag:s21] =	ssyncset.done @!p2 $0x0  }
0x5a: {  	s23 =	simm.s32 @!p2 $0x5800;
	[sflag:s21] =	ssyncadd.s32 @!p2 $0xFFFFF800;
	s21 =	sadd.s32 @!p2 $0x2880, s13  }
0x5b: {  	[spmem:s1] =	stream.indirect.scatter.add.f32 @!p2 [tilespmem:s23], [sflag:$0x9], $0x10, s21, s16, $0xb8;
	[tilespmem:$0xDE30] =	vst v63  }
0x5c: {  	s21 =	simm.s32 @!p2 $0x9  }
0x5d: {  	_ =	swait.ge @!p2 [sflag:s21], $0x800  }
0x5e: {  	[sflag:s21] =	ssyncset.done @!p2 $0x0  }
0x5f: {  	s24 =	sadd.s32 @!p2 $0x480, s13;
	[sflag:s21] =	ssyncadd.s32 @!p2 $0xFFFFF800  }
0x60: {  	[tilespmem:s23], [sflag:$0x2] =	stream.indirect.gather @!p2 [spmem:s2], $0x10, s24, s16, $0xb8;
	[tilespmem:$0xDE30] =	vst v63  }
0x61: {  	_ =	swait.ge [sflag:s31], $0x800  }
0x62: {  	[sflag:s31] =	ssyncset.done $0x0  }
0x63: {  	s24 =	sadd.s32 $0x2900, s10;
	[sflag:s31] =	ssyncadd.s32 $0xFFFFF800  }
0x64: {  	[spmem:s1] =	stream.indirect.scatter.add.f32 [tilespmem:s18], [sflag:$0x9], $0x10, s24, s14, $0xb8;
	[tilespmem:$0xDE30] =	vst v63  }
0x65: {  	_ =	swait.ge [sflag:s12], $0x800  }
0x66: {  	[sflag:s12] =	ssyncset.done $0x0  }
0x67: {  	s23 =	simm.s32 @p2 $0x4;
	[sflag:s12] =	ssyncadd.s32 $0xFFFFF800  }
0x68: {  	_ =	swait.ge @p2 [sflag:s23], $0x800  }
0x69: {  	[sflag:s23] =	ssyncset.done @p2 $0x0  }
0x6a: {  	s24 =	simm.s32 @p2 $0x6800;
	[sflag:s23] =	ssyncadd.s32 @p2 $0xFFFFF800;
	s23 =	sadd.s32 @p2 $0x2980, s17  }
0x6b: {  	[spmem:s1] =	stream.indirect.scatter.add.f32 @p2 [tilespmem:s24], [sflag:$0x9], $0x10, s23, s19, $0xb8;
	[tilespmem:$0xDE30] =	vst v63  }
0x6c: {  	_ =	swait.ge @p2 [sflag:s20], $0x800  }
0x6d: {  	[sflag:s20] =	ssyncset.done @p2 $0x0  }
0x6e: {  	s23 =	sadd.s32 @!p2 $0x500, s13;
	s24 =	simm.s32 @!p2 $0x6000;
	[sflag:s20] =	ssyncadd.s32 @p2 $0xFFFFF800  }
0x6f: {  	[tilespmem:s24], [sflag:$0x3] =	stream.indirect.gather @!p2 [spmem:s2], $0x10, s23, s16, $0xb8;
	[tilespmem:$0xDE30] =	vst v63  }
0x70: {  	s23 =	simm.s32 @!p2 $0x4  }
0x71: {  	_ =	swait.ge @!p2 [sflag:s23], $0x800  }
0x72: {  	[sflag:s23] =	ssyncset.done @!p2 $0x0  }
0x73: {  	s24 =	simm.s32 @!p2 $0x6800;
	[sflag:s23] =	ssyncadd.s32 @!p2 $0xFFFFF800;
	s23 =	sadd.s32 @!p2 $0x2980, s13  }
0x74: {  	[spmem:s1] =	stream.indirect.scatter.add.f32 @!p2 [tilespmem:s24], [sflag:$0x9], $0x10, s23, s16, $0xb8;
	[tilespmem:$0xDE30] =	vst v63  }
0x75: {  	_ =	swait.ge @!p2 [sflag:s21], $0x800  }
0x76: {  	[sflag:s21] =	ssyncset.done @!p2 $0x0  }
0x77: {  	s23 =	sadd.s32 @!p2 $0x580, s13;
	[sflag:s21] =	ssyncadd.s32 @!p2 $0xFFFFF800  }
0x78: {  	[tilespmem:s24], [sflag:$0x4] =	stream.indirect.gather @!p2 [spmem:s2], $0x10, s23, s16, $0xb8;
	[tilespmem:$0xDE30] =	vst v63  }
0x79: {  	_ =	swait.ge [sflag:s0], $0x800  }
0x7a: {  	[sflag:s0] =	ssyncset.done $0x0  }
0x7b: {  	s24 =	sadd.s32 $0x2A00, s10;
	[sflag:s0] =	ssyncadd.s32 $0xFFFFF800  }
0x7c: {  	[spmem:s1] =	stream.indirect.scatter.add.f32 [tilespmem:s22], [sflag:$0x9], $0x10, s24, s14, $0xb8;
	[tilespmem:$0xDE30] =	vst v63  }
0x7d: {  	_ =	swait.ge [sflag:s12], $0x800  }
0x7e: {  	[sflag:s12] =	ssyncset.done $0x0  }
0x7f: {  	s23 =	simm.s32 @p2 $0x6;
	[sflag:s12] =	ssyncadd.s32 $0xFFFFF800  }
0x80: {  	_ =	swait.ge @p2 [sflag:s23], $0x800  }
0x81: {  	[sflag:s23] =	ssyncset.done @p2 $0x0  }
0x82: {  	s17 =	sadd.s32 @p2 $0x2A80, s17;
	[sflag:s23] =	ssyncadd.s32 @p2 $0xFFFFF800;
	s23 =	simm.s32 @p2 $0x7800  }
0x83: {  	[spmem:s1] =	stream.indirect.scatter.add.f32 @p2 [tilespmem:s23], [sflag:$0x9], $0x10, s17, s19, $0xb8;
	[tilespmem:$0xDE30] =	vst v63  }
0x84: {  	_ =	swait.ge @p2 [sflag:s20], $0x800  }
0x85: {  	[sflag:s20] =	ssyncset.done @p2 $0x0  }
0x86: {  	s17 =	sadd.s32 @!p2 $0x600, s13;
	s19 =	simm.s32 @!p2 $0x7000;
	[sflag:s20] =	ssyncadd.s32 @p2 $0xFFFFF800  }
0x87: {  	[tilespmem:s19], [sflag:$0x5] =	stream.indirect.gather @!p2 [spmem:s2], $0x10, s17, s16, $0xb8;
	[tilespmem:$0xDE30] =	vst v63  }
0x88: {  	s17 =	simm.s32 @!p2 $0x6  }
0x89: {  	_ =	swait.ge @!p2 [sflag:s17], $0x800  }
0x8a: {  	[sflag:s17] =	ssyncset.done @!p2 $0x0  }
0x8b: {  	s19 =	simm.s32 @!p2 $0x7800;
	[sflag:s17] =	ssyncadd.s32 @!p2 $0xFFFFF800;
	s17 =	sadd.s32 @!p2 $0x2A80, s13  }
0x8c: {  	[spmem:s1] =	stream.indirect.scatter.add.f32 @!p2 [tilespmem:s19], [sflag:$0x9], $0x10, s17, s16, $0xb8;
	[tilespmem:$0xDE30] =	vst v63  }
0x8d: {  	_ =	swait.ge @!p2 [sflag:s21], $0x800  }
0x8e: {  	[sflag:s21] =	ssyncset.done @!p2 $0x0  }
0x8f: {  	s13 =	sadd.s32 @!p2 $0x680, s13;
	[sflag:s21] =	ssyncadd.s32 @!p2 $0xFFFFF800  }
0x90: {  	[tilespmem:s19], [sflag:$0x6] =	stream.indirect.gather @!p2 [spmem:s2], $0x10, s13, s16, $0xb8;
	[tilespmem:$0xDE30] =	vst v63  }
0x91: {  	_ =	swait.ge [sflag:s11], $0x800  }
0x92: {  	[sflag:s11] =	ssyncset.done $0x0  }
.Ltmp5:
0x93: {  	s24 =	sadd.s32 $0x2B00, s10;
	[sflag:s11] =	ssyncadd.s32 $0xFFFFF800;
	(pc) =	sbr.rel @p2 .LBB2_9-.Ltmp5, $4  }
0x94: {  	[spmem:s1] =	stream.indirect.scatter.add.f32 [tilespmem:s26], [sflag:$0x9], $0x10, s24, s14, $0xb8;
	[tilespmem:$0xDE30] =	vst v63  }
0x95: {  	_ =	swait.ge [sflag:s12], $0x800  }
0x96: {  	[sflag:s12] =	ssyncset.done $0x0  }
0x97: {  	s13 =	sadd.s32 $0x2B80, s10;
	[sflag:s12] =	ssyncadd.s32 $0xFFFFF800  }
0x98: {  	s16 =	sadd.s32 $0x700, s10  }
0x99: {  	[tilespmem:s26], [sflag:$0x7] =	stream.indirect.gather [spmem:s2], $0x10, s16, s14, $0xb8;
	[tilespmem:$0xDE30] =	vst v63  }
0x9a: {  	_ =	swait.ge [sflag:s4], $0x800  }
0x9b: {  	[sflag:s4] =	ssyncset.done $0x0  }
0x9c: {  	[sflag:s4] =	ssyncadd.s32 $0xFFFFF800  }
0x9d: {  	[spmem:s1] =	stream.indirect.scatter.add.f32 [tilespmem:s29], [sflag:$0x9], $0x10, s13, s14, $0xb8;
	[tilespmem:$0xDE30] =	vst v63  }
.Ltmp6:
0x9e: {  	_ = 	snop;
	(pc) =	sbr.rel .LBB2_7-.Ltmp6, $4  }
0x9f: {  	_ =	swait.ge [sflag:s12], $0x800  }
0xa0: {  	[sflag:s12] =	ssyncset.done $0x0  }
0xa1: {  	s24 =	sadd.s32 $0x780, s10;
	s5 =	sadd.s32 $0x1000, s5;
	[sflag:s12] =	ssyncadd.s32 $0xFFFFF800  }
0xa2: {  	[tilespmem:s29], [sflag:$0x8] =	stream.indirect.gather [spmem:s2], $0x10, s24, s14, $0xb8;
	[tilespmem:$0xDE30] =	vst v63  }
.LBB2_10:
0xa3: {  	_ =	sfence.sel $0x180000  }
0xa4: {  	[bflag:$0x0] =	sbarrier.arrive $0xFFFF  }
0xa5: {  	_ =	strace $0x9000004A  }
0xa6: {  	[bflag:$0x2] =	sbarrier.arrive $0xFFFF  }
0xa7: {  	s0 =	rddreg [dreg:$0x4]  }
0xa8: {  	s0 =	sadd.s32 @!p1 $0x100000, s0  }
0xa9: {  	[sflag:s0] =	ssyncadd.tile.s32 @!p1 $0x1;
	_ =	shalt  }
.Lfunc_end2:
_tile_overlayer_lowered:
.L_overlay_start_2:
0xaa: {  	(tag) =	ssettag $0x2  }
0xab: {  	s0 =	rddreg [dreg:$0x0];
	s2 =	stileid.u32  }
0xac: {  	s1 =	rddreg [dreg:$0x1];
	p0 =	sne.s32 s2, $0x0  }
0xad: {  	s3 =	rddreg [dreg:$0x2];
	[bflag:$0x3] =	sbarrier.arrive $0xFFFF;
	s2 =	simm.s32 @!p0 $0x1C09  }
0xae: {  	[timem:s3], [sflag:s2] =	dma.local @!p0 [hbm:s0], s1  }
0xaf: {  	s0 =	simm.s32 @!p0 $0x9  }
0xb0: {  	_ =	swait.ge @!p0 [sflag:s0], s1  }
0xb1: {  	s1 =	ssub.s32 @!p0 $0x0, s1;
	[sflag:s0] =	ssyncset.done @!p0 $0x0  }
0xb2: {  	[sflag:s0] =	ssyncadd.s32 @!p0 s1  }
0xb3: {  	[bflag:$0x3] =	sbarrier.arrive $0xFFFF  }
0xb4: {  	_ =	shalt  }

// kernel: kernel.14.cloned.1.call-start
scs
__scs_entry_jumppad:
0x0: {  	(pc) =	sbr.rel $0x88, $3  }
0x1: {  	(tag) =	ssettag $0x0;
	lr =	simm.s32 $0x1  }
0x2: {  	[smem:$0x3F9B] =	sst lr;
	_ =	strace $0xD0000000  }
0x3: {  	_ = 	snop  }
0x4: {  	_ = 	snop  }
0x5: {  	_ = 	snop  }
0x6: {  	_ = 	snop  }
0x7: {  	_ = 	snop  }
__scs_overlays_trampoline_lowered:
0x8: {  	[smem:$0x3FAA] =	sst s0  }
0x9: {  	[smem:$0x3FAB] =	sst s1  }
0xa: {  	[smem:$0x3FAC] =	sst s2  }
0xb: {  	[smem:$0x3FAD] =	sst s3  }
0xc: {  	[smem:$0x3FAE] =	sst s4  }
0xd: {  	[smem:$0x3FAF] =	sst s5  }
0xe: {  	[smem:$0x3FB0] =	sst s6  }
0xf: {  	[smem:$0x3FB1] =	sst s7  }
0x10: {  	[smem:$0x3FB2] =	sst s8  }
0x11: {  	[smem:$0x3FB3] =	sst s9;
	s0 =	simm.s32 @!p0 $0x0  }
0x12: {  	s1 =	sld [smem:$0x3F99];
	s0 =	simm.s32 @p0 $0x1  }
0x13: {  	[smem:$0x3FB4] =	sst s0;
	s0 =	simm.s32 @!p1 $0x0  }
0x14: {  	s2 =	sld [smem:$0x3F98];
	s0 =	simm.s32 @p1 $0x1  }
0x15: {  	[smem:$0x3FB5] =	sst s0;
	s0 =	simm.s32 @!p2 $0x0  }
0x16: {  	s3 =	sld [smem:$0x3FDB];
	s0 =	simm.s32 @p2 $0x1  }
0x17: {  	s4 =	simm.s32 $0x1BF5;
	[smem:$0x3FB7] =	sst s0  }
0x18: {  	s0 =	sld [smem:$0x3F9A];
	_ =	swait.ge [sflag:s4], $0x0  }
0x19: {  	s7 =	sld [smem:$0x3F9B]  }
0x1a: {  	s8 =	sadd.s32 $0xFFFFE003, lr  }
0x1b: {  	s9 =	sadd.s32 $0xFFFFFEF7, lr;
	s5 =	simm.s32 $0xFFFFFFFF;
	p2 =	slt.u32 s8, $0xFFFFF086  }
0x1c: {  	p1 =	slt.u32 s9, $0xF7A;
	s5 =	simm.s32 @!p2 $0x0  }
0x1d: {  	s5 =	simm.s32 @p1 $0x1;
	p0 =	seq.s32 s7, s2  }
0x1e: {  	s7 =	smul.u32 @!p0 $0xF7A, s2;
	p2 =	seq.s32 @!p0 s5, $0x0  }
0x1f: {  	s9 =	smul.u32 $0xF7A, s1;
	s8 =	simm.s32 @!p0 $0x1BF5;
	p2 =	por !p2, p0  }
0x20: {  	[sflag:s8] =	ssyncset.s32 @!p0 $0xFFFFF086;
	s6 =	sadd.s32 @!p0 s3, s7;
	s7 =	simm.s32 @!p0 $0x108  }
0x21: {  	s3 =	sadd.s32 s3, s9;
	s6 =	sadd.s32 @!p0 $0x88, s6;
	s7 =	simm.s32 @p2 $0x1082  }
0x22: {  	[simem:s7], [sflag:s8] =	dma.local @!p0 [hbm:s6], $0xF7A  }
0x23: {  	s9 =	sor.u32 $0xD0000000, s2;
	s6 =	simm.s32 $0x108;
	_ =	swait.ge @!p0 [sflag:s8], $0x0  }
0x24: {  	s3 =	sadd.s32 $0x88, s3;
	s6 =	simm.s32 @!p1 $0x1082;
	[sflag:s4] =	ssyncset.s32 $0xFFFFF086  }
0x25: {  	[simem:s6], [sflag:s4] =	dma.local [hbm:s3], $0xF7A  }
0x26: {  	[smem:$0x3F9B] =	sst s1;
	(tag) =	ssettag s2;
	_ =	strace s9  }
0x27: {  	s1 =	sld [smem:$0x3FAB]  }
0x28: {  	s2 =	sld [smem:$0x3FAC]  }
0x29: {  	s4 =	sld [smem:$0x3FAE]  }
0x2a: {  	p0 =	seq.s32 s5, $0x0;
	s5 =	sld [smem:$0x3FAF]  }
0x2b: {  	s6 =	sld [smem:$0x3FB0]  }
0x2c: {  	s7 =	sld [smem:$0x3FB1]  }
0x2d: {  	s3 =	simm.s32 $0x108;
	s8 =	sld [smem:$0x3FB2]  }
0x2e: {  	s3 =	simm.s32 @!p0 $0x1082;
	s9 =	sld [smem:$0x3FB3]  }
0x2f: {  	lr =	sadd.s32 s0, s3;
	s0 =	sld [smem:$0x3FAA]  }
0x30: {  	s3 =	sld [smem:$0x3FAD]  }
0x31: {  	[smem:$0x3FB6] =	sst s10  }
0x32: {  	s10 =	sld [smem:$0x3FB4];
	_ =	sdelay $0x3  }
0x33: {  	p0 =	seq.s32 s10, $0x1;
	s10 =	sld [smem:$0x3FB6];
	_ =	sdelay $0x3  }
0x34: {  	[smem:$0x3FB6] =	sst s10  }
0x35: {  	s10 =	sld [smem:$0x3FB5];
	_ =	sdelay $0x3  }
0x36: {  	p1 =	seq.s32 s10, $0x1;
	s10 =	sld [smem:$0x3FB6];
	_ =	sdelay $0x3  }
0x37: {  	[smem:$0x3FB6] =	sst s10  }
0x38: {  	s10 =	sld [smem:$0x3FB7]  }
0x39: {  	_ = 	snop;
	(pc) =	sbr.ind lr, $3  }
0x3a: {  	_ = 	snop  }
0x3b: {  	_ = 	snop  }
0x3c: {  	p2 =	seq.s32 s10, $0x1;
	s10 =	sld [smem:$0x3FB6]  }
0x3d: {  	_ =	shalt  }
0x3e: {  	_ =	shalt  }
0x3f: {  	_ =	shalt  }
0x40: {  	_ =	shalt  }
0x41: {  	_ =	shalt  }
0x42: {  	_ =	shalt  }
0x43: {  	_ =	shalt  }
0x44: {  	_ =	shalt  }
0x45: {  	_ =	shalt  }
0x46: {  	_ =	shalt  }
0x47: {  	_ =	shalt  }
0x48: {  	_ =	shalt  }
0x49: {  	_ =	shalt  }
0x4a: {  	_ =	shalt  }
0x4b: {  	_ =	shalt  }
0x4c: {  	_ =	shalt  }
0x4d: {  	_ =	shalt  }
0x4e: {  	_ =	shalt  }
0x4f: {  	_ =	shalt  }
0x50: {  	_ =	shalt  }
0x51: {  	_ =	shalt  }
0x52: {  	_ =	shalt  }
0x53: {  	_ =	shalt  }
0x54: {  	_ =	shalt  }
0x55: {  	_ =	shalt  }
0x56: {  	_ =	shalt  }
0x57: {  	_ =	shalt  }
0x58: {  	_ =	shalt  }
0x59: {  	_ =	shalt  }
0x5a: {  	_ =	shalt  }
0x5b: {  	_ =	shalt  }
0x5c: {  	_ =	shalt  }
0x5d: {  	_ =	shalt  }
0x5e: {  	_ =	shalt  }
0x5f: {  	_ =	shalt  }
0x60: {  	_ =	shalt  }
0x61: {  	_ =	shalt  }
0x62: {  	_ =	shalt  }
0x63: {  	_ =	shalt  }
0x64: {  	_ =	shalt  }
0x65: {  	_ =	shalt  }
0x66: {  	_ =	shalt  }
0x67: {  	_ =	shalt  }
0x68: {  	_ =	shalt  }
0x69: {  	_ =	shalt  }
0x6a: {  	_ =	shalt  }
0x6b: {  	_ =	shalt  }
0x6c: {  	_ =	shalt  }
0x6d: {  	_ =	shalt  }
0x6e: {  	_ =	shalt  }
0x6f: {  	_ =	shalt  }
0x70: {  	_ =	shalt  }
0x71: {  	_ =	shalt  }
0x72: {  	_ =	shalt  }
0x73: {  	_ =	shalt  }
0x74: {  	_ =	shalt  }
0x75: {  	_ =	shalt  }
0x76: {  	_ =	shalt  }
0x77: {  	_ =	shalt  }
0x78: {  	_ =	shalt  }
0x79: {  	_ =	shalt  }
0x7a: {  	_ =	shalt  }
0x7b: {  	_ =	shalt  }
0x7c: {  	_ =	shalt  }
0x7d: {  	_ =	shalt  }
0x7e: {  	_ =	shalt  }
0x7f: {  	_ =	shalt  }
0x80: {  	_ =	shalt  }
0x81: {  	_ =	shalt  }
0x82: {  	_ =	shalt  }
0x83: {  	_ =	shalt  }
0x84: {  	_ =	shalt  }
0x85: {  	_ =	shalt  }
0x86: {  	_ =	shalt  }
0x87: {  	_ =	shalt  }
.Lfunc_end0:
.L_simem_size_0:
called_computation.2_lowered:
.L_overlay_start_0:
0x88: {  	s2 =	sld [smem:$0x3FD9]  }
0x89: {  	s3 =	sld [smem:$0x3FFE];
	_ =	sdelay $0x1  }
0x8a: {  	s1 =	srdreg.scid  }
0x8b: {  	s0 =	sand.u32 $0x1, s1  }
0x8c: {  	s17 =	sshll.u32 s0, $0xA;
	s2 =	sadd.s32 s3, s2  }
0x8d: {  	s2 =	sadd.s32 s2, s17  }
0x8e: {  	[smem:$0x3FC2] =	sst s2  }
0x8f: {  	_ = 	snop  }
0x90: {  	s2 =	sld [smem:$0x3FD0];
	(tm) =	ssettm $0x1  }
0x91: {  	s18 =	sld [smem:$0x3FFB];
	_ =	sdelay $0x3  }
0x92: {  	_ =	strace s18  }
0x93: {  	s3 =	sld [smem:$0x3FFC];
	_ =	sdelay $0x3  }
0x94: {  	_ =	strace s3  }
0x95: {  	s3 =	sld [smem:$0x3FFD];
	_ =	sdelay $0x3  }
0x96: {  	_ =	strace s3  }
0x97: {  	_ =	strace $0x8FFFFFFF  }
0x98: {  	s19 =	sld [smem:$0x3FDB];
	_ =	sdelay $0x1  }
0x99: {  	s4 =	simm.s32 $_scs_section_size  }
0x9a: {  	s5 =	simm.s32 $_size__tile_overlayer_lowered;
	s6 =	simm.s32 $_tile_overlayer_lowered  }
0x9b: {  	s22 =	simm.s32 $0x1BFF;
	s21 =	sshll.u32 s6, $0x1;
	s3 =	sadd.s32 s4, s19  }
0x9c: {  	s7 =	simm.s32 $0x0;
	s20 =	sshll.u32 s5, $0x1;
	s5 =	sadd.s32 s21, s3  }
0x9d: {  	[timem:s7], [sflag:s22] =	dma.local [hbm:s5], s20  }
0x9e: {  	_ =	swait.ge [sflag:s22], s20  }
0x9f: {  	s4 =	ssub.s32 $0x0, s20;
	[sflag:s22] =	ssyncset.done $0x0  }
0xa0: {  	[sflag:s22] =	ssyncadd.s32 s4;
	_ =	sdelay $0x1  }
0xa1: {  	s23 =	simm.s32 $0x1B8B  }
0xa2: {  	_ =	swait.ge [sflag:s23], $0x1  }
0xa3: {  	[sflag:s23] =	ssyncset.done $0x0  }
0xa4: {  	s25 =	simm.s32 $0x1B8E;
	s24 =	sld [smem:$0x3FFE];
	[sflag:s23] =	ssyncadd.s32 $0xFFFFFFFF  }
0xa5: {  	s26 =	simm.s32 $execute0_lowered;
	[smem:$0x3FD2] =	sst s25  }
0xa6: {  	s5 =	sshll.u32 s26, $0x1;
	_ =	strace $0x8000004C;
	[dreg:$0x1] =	wrdreg $0xFFFFFFFF  }
0xa7: {  	s28 =	simm.s32 $_size_execute0_lowered;
	s3 =	sadd.s32 s3, s5;
	[dreg:$0x0] =	wrdreg $0x0  }
0xa8: {  	s5 =	sshll.u32 s28, $0x1;
	[dreg:$0x2] =	wrdreg s3  }
0xa9: {  	[dreg:$0x3] =	wrdreg s5  }
0xaa: {  	[dreg:$0x4] =	wrdreg $0xC0  }
0xab: {  	_ =	task [dreg:s7], $0x5FFFF  }
0xac: {  	[dreg:$0x1] =	wrdreg $0xFFFFFFFF  }
0xad: {  	[dreg:$0x0] =	wrdreg $0x60  }
0xae: {  	[dreg:$0x2] =	wrdreg s24  }
0xaf: {  	[dreg:$0x3] =	wrdreg s2  }
0xb0: {  	[dreg:$0x4] =	wrdreg $0x90000  }
0xb1: {  	[dreg:$0x5] =	wrdreg $0xB7180  }
0xb2: {  	[dreg:$0x6] =	wrdreg $0x9  }
0xb3: {  	_ =	task.clear_ibuf [dreg:s7], $0x7FFFF;
	_ =	strace $0x9000004C  }
0xb4: {  	s29 =	simm.s32 $0x9;
	_ =	strace $0x8000004E  }
0xb5: {  	_ =	swait.ge [sflag:s29], $0x1  }
0xb6: {  	[sflag:s29] =	ssyncadd.s32 $0xFFFFFFFF  }
0xb7: {  	_ =	strace $0x9000004E  }
0xb8: {  	_ =	sfence  }
0xb9: {  	s30 =	sld [smem:$0x0];
	_ =	sdelay $0x2  }
0xba: {  	s31 =	sshll.u32 s1, $0xD;
	s1 =	sshrl.u32 s1, $0x2  }
0xbb: {  	s3 =	sand.u32 $0x4000, s31;
	s1 =	sadd.s32 s1, s30  }
0xbc: {  	s0 =	sor.u32 s3, s0;
	s1 =	sshll.u32 s1, $0x11  }
0xbd: {  	s0 =	sor.u32 s1, s0  }
0xbe: {  	s0 =	sadd.s32 $0x8F2B, s0  }
0xbf: {  	[sflag:s0] =	ssyncadd.remote.s32 $0x1  }
0xc0: {  	_ =	sfence.sel $0xFFFF  }
0xc1: {  	[dreg:$0x0] =	wrdreg $0xFFFFFFFF;
	(pc) =	sbr.abs _section_cstart, $3  }
0xc2: {  	[dreg:$0x1] =	wrdreg $0xFFFFFFFF  }
0xc3: {  	_ =	task.clear_ibuf [dreg:s7], $0x2FFFF;
	_ =	strace $0x9FFFFFFF  }
0xc4: {  	(tm) =	ssettm $0x7FFFFFFF  }
0xc5: {  	_ =	shalt  }
tec
execute0_lowered:
.L_overlay_start_1:
0x0: {  	(tag) =	ssettag $0x1  }
0x1: {  	s0 =	rddreg [dreg:$0x0]  }
0x2: {  	s4 =	rddreg [dreg:$0x1]  }
0x3: {  	s1 =	rddreg [dreg:$0x2]  }
0x4: {  	s2 =	rddreg [dreg:$0x3]  }
0x5: {  	s3 =	srdreg.scid;
	s10 =	stileid.u32;
	s12 =	simm.s32 $0x9  }
0x6: {  	s14 =	simm.s32 $0x80;
	s15 =	simm.s32 $0x5000;
	s18 =	simm.s32 $0x6000  }
0x7: {  	s22 =	simm.s32 $0x7000;
	s28 =	simm.s32 $0x380;
	s29 =	simm.s32 $0x8800  }
0x8: {  	s30 =	simm.s32 $0x1;
	s31 =	simm.s32 $0x3;
	s11 =	simm.s32 $0x7  }
0x9: {  	s5 =	sand.u32 $0x1, s3;
	s3 =	simm.s32 $0x0;
	s7 =	sadd.s32 $0x10A00, s0  }
0xa: {  	s9 =	sadd.s32 $0xBA00, s0;
	p0 =	seq.s32 s10, $0x1;
	s26 =	sshrl.u32 s2, $0x3  }
0xb: {  	p1 =	sne.s32 s10, $0x0;
	s6 =	sshll.u32 s5, $0x4;
	[smem:$0x7FF] =	sst s3  }
0xc: {  	s24 =	smul.u32 $0x4E30, s5;
	s5 =	ssub.s32 $0x2, s5;
	s6 =	sor.u32 s10, s6  }
0xd: {  	_ =	strace $0x8000004D;
	[dreg:$0x5] =	wrdreg s7;
	s6 =	smul.u32 $0x500, s6  }
.Ltmp0:
0xe: {  	[dreg:$0x6] =	wrdreg s9;
	s25 =	sshrl.u32 s5, $0x1;
	(pc) =	sbr.rel .LBB2_1-.Ltmp0, $4  }
0xf: {  	[dreg:$0x7] =	wrdreg s26;
	s26 =	simm.s32 $0x8000;
	s5 =	ssub.s32 s5, s25  }
0x10: {  	s25 =	simm.s32 $0x300;
	s9 =	smax.u32 s5, $0x1;
	s8 =	sadd.s32 s6, s0  }
0x11: {  	s0 =	sadd.s32 s24, s0;
	s6 =	sadd.s32 s4, s6;
	s4 =	simm.s32 $0x8  }
0x12: {  	s7 =	sadd.s32 $0x1800, s8;
	s8 =	sadd.s32 $0x15A00, s0;
	s0 =	simm.s32 $0x5  }
.LBB2_9:
0x13: {  	_ =	swait.ge [sflag:s4], $0x800  }
0x14: {  	[sflag:s4] =	ssyncset.done $0x0  }
0x15: {  	[sflag:s4] =	ssyncadd.s32 $0xFFFFF800  }
0x16: {  	[spmem:s1] =	stream.indirect.scatter.add.f32 [tilespmem:s29], [sflag:$0x9], $0x10, s13, s14, $0xb8;
	[tilespmem:$0xDE30] =	vst v63  }
0x17: {  	_ =	swait.ge [sflag:s12], $0x800  }
0x18: {  	[sflag:s12] =	ssyncset.done $0x0  }
0x19: {  	s5 =	sshrl.u32 @!p1 s1, $0x3;
	s3 =	sadd.s32 $0x1, s3;
	[sflag:s12] =	ssyncadd.s32 $0xFFFFF800  }
0x1a: {  	s10 =	simm.s32 @!p1 $0x1C09;
	p2 =	sne.s32 s3, s9;
	[bflag:$0x0] =	sbarrier.arrive $0xFFFF  }
0x1b: {  	[hbm:s8], [sflag:s10] =	dma.local @!p1 [spmem:s5], $0x4E30  }
.Ltmp1:
0x1c: {  	_ = 	snop;
	(pc) =	sbr.rel @!p2 .LBB2_10-.Ltmp1, $4  }
0x1d: {  	s5 =	simm.s32 @!p1 $0x9  }
0x1e: {  	_ =	swait.ge @!p1 [sflag:s5], $0x4E30  }
0x1f: {  	[sflag:s5] =	ssyncset.done @!p1 $0x0  }
0x20: {  	[sflag:s5] =	ssyncadd.s32 @!p1 $0xFFFFB1D0  }
.LBB2_1:
.Ltmp2:
0x21: {  	(pc) =	sbr.rel @p0 .LBB2_4-.Ltmp2, $1  }
0x22: {  	_ =	sdelay $0x3  }
.Ltmp3:
0x23: {  	(pc) =	sbr.rel @p1 .LBB2_6-.Ltmp3, $1  }
0x24: {  	_ =	sdelay $0x3  }
.Ltmp4:
0x25: {  	(pc) =	sbr.rel .LBB2_5-.Ltmp4, $3  }
0x26: {  	_ =	sdelay $0x1  }
0x27: {  	s5 =	sshrl.u32 s1, $0x3;
	s10 =	rddreg [dreg:$0x6];
	s13 =	simm.s32 $0x1C09  }
0x28: {  	[spmem:s5], [sflag:s13] =	dma.local [hbm:s10], $0x4E30  }
.LBB2_4:
0x29: {  	s5 =	rddreg [dreg:$0x5]  }
0x2a: {  	s10 =	rddreg [dreg:$0x7];
	s13 =	simm.s32 $0x1C49  }
0x2b: {  	[spmem:s10], [sflag:s13] =	dma.local [hbm:s5], $0x4E30  }
.LBB2_5:
0x2c: {  	_ =	swait.ge [sflag:s12], $0x4E30  }
0x2d: {  	[sflag:s12] =	ssyncset.done $0x0  }
0x2e: {  	[sflag:s12] =	ssyncadd.s32 $0xFFFFB1D0  }
.LBB2_6:
0x2f: {  	s5 =	simm.s32 $0x0  }
0x30: {  	[tilespmem:s5], [sflag:$0x9] =	stream.linear.gather [hbm4b:s6+s5], $0x2800, $0x38;
	[tilespmem:$0xDE30] =	vst v63  }
0x31: {  	_ =	swait.ge [sflag:s12], $0x2800  }
0x32: {  	[sflag:s12] =	ssyncset.done $0x0  }
0x33: {  	s10 =	simm.s32 $0x2800;
	[sflag:s12] =	ssyncadd.s32 $0xFFFFD800  }
0x34: {  	[tilespmem:s10], [sflag:$0x9] =	stream.linear.gather [hbm4b:s7+s5], $0x2800, $0x38;
	[tilespmem:$0xDE30] =	vst v63  }
0x35: {  	_ =	swait.ge [sflag:s12], $0x2800  }
0x36: {  	[sflag:s12] =	ssyncset.done $0x0  }
0x37: {  	[sflag:s12] =	ssyncadd.s32 $0xFFFFD800  }
0x38: {  	[bflag:$0x0] =	sbarrier.arrive $0xFFFF  }
0x39: {  	[tilespmem:s15], [sflag:$0x1] =	stream.indirect.gather [spmem:s2], $0x10, s5, s14, $0xb8;
	[tilespmem:$0xDE30] =	vst v63  }
0x3a: {  	s17 =	simm.s32 $0x5800  }
0x3b: {  	[tilespmem:s17], [sflag:$0x2] =	stream.indirect.gather [spmem:s2], $0x10, s14, s14, $0xb8;
	[tilespmem:$0xDE30] =	vst v63  }
0x3c: {  	s19 =	simm.s32 $0x100  }
0x3d: {  	[tilespmem:s18], [sflag:$0x3] =	stream.indirect.gather [spmem:s2], $0x10, s19, s14, $0xb8;
	[tilespmem:$0xDE30] =	vst v63  }
0x3e: {  	s20 =	simm.s32 $0x180;
	s13 =	simm.s32 $0x6800  }
0x3f: {  	[tilespmem:s13], [sflag:$0x4] =	stream.indirect.gather [spmem:s2], $0x10, s20, s14, $0xb8;
	[tilespmem:$0xDE30] =	vst v63  }
0x40: {  	s21 =	simm.s32 $0x200  }
0x41: {  	[tilespmem:s22], [sflag:$0x5] =	stream.indirect.gather [spmem:s2], $0x10, s21, s14, $0xb8;
	[tilespmem:$0xDE30] =	vst v63  }
0x42: {  	s23 =	simm.s32 $0x280;
	s24 =	simm.s32 $0x7800  }
0x43: {  	[tilespmem:s24], [sflag:$0x6] =	stream.indirect.gather [spmem:s2], $0x10, s23, s14, $0xb8;
	[tilespmem:$0xDE30] =	vst v63  }
0x44: {  	_ = 	snop  }
0x45: {  	[tilespmem:s26], [sflag:$0x7] =	stream.indirect.gather [spmem:s2], $0x10, s25, s14, $0xb8;
	[tilespmem:$0xDE30] =	vst v63  }
0x46: {  	_ = 	snop  }
0x47: {  	[tilespmem:s29], [sflag:$0x8] =	stream.indirect.gather [spmem:s2], $0x10, s28, s14, $0xb8;
	[tilespmem:$0xDE30] =	vst v63  }
.LBB2_7:
0x48: {  	_ =	swait.ge [sflag:s30], $0x800  }
0x49: {  	s10 =	sshra.s32 s5, $0x2;
	[sflag:s30] =	ssyncset.done $0x0  }
0x4a: {  	s13 =	sadd.s32 $0x2800, s10;
	[sflag:s30] =	ssyncadd.s32 $0xFFFFF800  }
0x4b: {  	[spmem:s1] =	stream.indirect.scatter.add.f32 [tilespmem:s15], [sflag:$0x9], $0x10, s13, s14, $0xb8;
	[tilespmem:$0xDE30] =	vst v63  }
0x4c: {  	_ =	swait.ge [sflag:s12], $0x800  }
0x4d: {  	p2 =	seq.s32 s5, $0x9000;
	[sflag:s12] =	ssyncset.done $0x0  }
0x4e: {  	s13 =	simm.s32 @p2 $0x2;
	[sflag:s12] =	ssyncadd.s32 $0xFFFFF800  }
0x4f: {  	s17 =	sshra.s32 @p2 s5, $0x2;
	_ =	swait.ge @p2 [sflag:s13], $0x800  }
0x50: {  	s19 =	simm.s32 @p2 $0x80;
	s16 =	simm.s32 @p2 $0x5800;
	[sflag:s13] =	ssyncset.done @p2 $0x0  }
0x51: {  	s20 =	simm.s32 @p2 $0x9;
	[sflag:s13] =	ssyncadd.s32 @p2 $0xFFFFF800;
	s13 =	sadd.s32 @p2 $0x2880, s17  }
0x52: {  	[spmem:s1] =	stream.indirect.scatter.add.f32 @p2 [tilespmem:s16], [sflag:$0x9], $0x10, s13, s19, $0xb8;
	[tilespmem:$0xDE30] =	vst v63  }
0x53: {  	_ =	swait.ge @p2 [sflag:s20], $0x800  }
0x54: {  	s23 =	simm.s32 @!p2 $0x5000;
	s13 =	sshra.s32 @!p2 s5, $0x2;
	[sflag:s20] =	ssyncset.done @p2 $0x0  }
0x55: {  	s16 =	simm.s32 @!p2 $0x80;
	s21 =	sadd.s32 @!p2 $0x400, s13;
	[sflag:s20] =	ssyncadd.s32 @p2 $0xFFFFF800  }
0x56: {  	[tilespmem:s23], [sflag:$0x1] =	stream.indirect.gather @!p2 [spmem:s2], $0x10, s21, s16, $0xb8;
	[tilespmem:$0xDE30] =	vst v63  }
0x57: {  	s21 =	simm.s32 @!p2 $0x2  }
0x58: {  	_ =	swait.ge @!p2 [sflag:s21], $0x800  }
0x59: {  	[sflag:s21] =	ssyncset.done @!p2 $0x0  }
0x5a: {  	s23 =	simm.s32 @!p2 $0x5800;
	[sflag:s21] =	ssyncadd.s32 @!p2 $0xFFFFF800;
	s21 =	sadd.s32 @!p2 $0x2880, s13  }
0x5b: {  	[spmem:s1] =	stream.indirect.scatter.add.f32 @!p2 [tilespmem:s23], [sflag:$0x9], $0x10, s21, s16, $0xb8;
	[tilespmem:$0xDE30] =	vst v63  }
0x5c: {  	s21 =	simm.s32 @!p2 $0x9  }
0x5d: {  	_ =	swait.ge @!p2 [sflag:s21], $0x800  }
0x5e: {  	[sflag:s21] =	ssyncset.done @!p2 $0x0  }
0x5f: {  	s24 =	sadd.s32 @!p2 $0x480, s13;
	[sflag:s21] =	ssyncadd.s32 @!p2 $0xFFFFF800  }
0x60: {  	[tilespmem:s23], [sflag:$0x2] =	stream.indirect.gather @!p2 [spmem:s2], $0x10, s24, s16, $0xb8;
	[tilespmem:$0xDE30] =	vst v63  }
0x61: {  	_ =	swait.ge [sflag:s31], $0x800  }
0x62: {  	[sflag:s31] =	ssyncset.done $0x0  }
0x63: {  	s24 =	sadd.s32 $0x2900, s10;
	[sflag:s31] =	ssyncadd.s32 $0xFFFFF800  }
0x64: {  	[spmem:s1] =	stream.indirect.scatter.add.f32 [tilespmem:s18], [sflag:$0x9], $0x10, s24, s14, $0xb8;
	[tilespmem:$0xDE30] =	vst v63  }
0x65: {  	_ =	swait.ge [sflag:s12], $0x800  }
0x66: {  	[sflag:s12] =	ssyncset.done $0x0  }
0x67: {  	s23 =	simm.s32 @p2 $0x4;
	[sflag:s12] =	ssyncadd.s32 $0xFFFFF800  }
0x68: {  	_ =	swait.ge @p2 [sflag:s23], $0x800  }
0x69: {  	[sflag:s23] =	ssyncset.done @p2 $0x0  }
0x6a: {  	s24 =	simm.s32 @p2 $0x6800;
	[sflag:s23] =	ssyncadd.s32 @p2 $0xFFFFF800;
	s23 =	sadd.s32 @p2 $0x2980, s17  }
0x6b: {  	[spmem:s1] =	stream.indirect.scatter.add.f32 @p2 [tilespmem:s24], [sflag:$0x9], $0x10, s23, s19, $0xb8;
	[tilespmem:$0xDE30] =	vst v63  }
0x6c: {  	_ =	swait.ge @p2 [sflag:s20], $0x800  }
0x6d: {  	[sflag:s20] =	ssyncset.done @p2 $0x0  }
0x6e: {  	s23 =	sadd.s32 @!p2 $0x500, s13;
	s24 =	simm.s32 @!p2 $0x6000;
	[sflag:s20] =	ssyncadd.s32 @p2 $0xFFFFF800  }
0x6f: {  	[tilespmem:s24], [sflag:$0x3] =	stream.indirect.gather @!p2 [spmem:s2], $0x10, s23, s16, $0xb8;
	[tilespmem:$0xDE30] =	vst v63  }
0x70: {  	s23 =	simm.s32 @!p2 $0x4  }
0x71: {  	_ =	swait.ge @!p2 [sflag:s23], $0x800  }
0x72: {  	[sflag:s23] =	ssyncset.done @!p2 $0x0  }
0x73: {  	s24 =	simm.s32 @!p2 $0x6800;
	[sflag:s23] =	ssyncadd.s32 @!p2 $0xFFFFF800;
	s23 =	sadd.s32 @!p2 $0x2980, s13  }
0x74: {  	[spmem:s1] =	stream.indirect.scatter.add.f32 @!p2 [tilespmem:s24], [sflag:$0x9], $0x10, s23, s16, $0xb8;
	[tilespmem:$0xDE30] =	vst v63  }
0x75: {  	_ =	swait.ge @!p2 [sflag:s21], $0x800  }
0x76: {  	[sflag:s21] =	ssyncset.done @!p2 $0x0  }
0x77: {  	s23 =	sadd.s32 @!p2 $0x580, s13;
	[sflag:s21] =	ssyncadd.s32 @!p2 $0xFFFFF800  }
0x78: {  	[tilespmem:s24], [sflag:$0x4] =	stream.indirect.gather @!p2 [spmem:s2], $0x10, s23, s16, $0xb8;
	[tilespmem:$0xDE30] =	vst v63  }
0x79: {  	_ =	swait.ge [sflag:s0], $0x800  }
0x7a: {  	[sflag:s0] =	ssyncset.done $0x0  }
0x7b: {  	s24 =	sadd.s32 $0x2A00, s10;
	[sflag:s0] =	ssyncadd.s32 $0xFFFFF800  }
0x7c: {  	[spmem:s1] =	stream.indirect.scatter.add.f32 [tilespmem:s22], [sflag:$0x9], $0x10, s24, s14, $0xb8;
	[tilespmem:$0xDE30] =	vst v63  }
0x7d: {  	_ =	swait.ge [sflag:s12], $0x800  }
0x7e: {  	[sflag:s12] =	ssyncset.done $0x0  }
0x7f: {  	s23 =	simm.s32 @p2 $0x6;
	[sflag:s12] =	ssyncadd.s32 $0xFFFFF800  }
0x80: {  	_ =	swait.ge @p2 [sflag:s23], $0x800  }
0x81: {  	[sflag:s23] =	ssyncset.done @p2 $0x0  }
0x82: {  	s17 =	sadd.s32 @p2 $0x2A80, s17;
	[sflag:s23] =	ssyncadd.s32 @p2 $0xFFFFF800;
	s23 =	simm.s32 @p2 $0x7800  }
0x83: {  	[spmem:s1] =	stream.indirect.scatter.add.f32 @p2 [tilespmem:s23], [sflag:$0x9], $0x10, s17, s19, $0xb8;
	[tilespmem:$0xDE30] =	vst v63  }
0x84: {  	_ =	swait.ge @p2 [sflag:s20], $0x800  }
0x85: {  	[sflag:s20] =	ssyncset.done @p2 $0x0  }
0x86: {  	s17 =	sadd.s32 @!p2 $0x600, s13;
	s19 =	simm.s32 @!p2 $0x7000;
	[sflag:s20] =	ssyncadd.s32 @p2 $0xFFFFF800  }
0x87: {  	[tilespmem:s19], [sflag:$0x5] =	stream.indirect.gather @!p2 [spmem:s2], $0x10, s17, s16, $0xb8;
	[tilespmem:$0xDE30] =	vst v63  }
0x88: {  	s17 =	simm.s32 @!p2 $0x6  }
0x89: {  	_ =	swait.ge @!p2 [sflag:s17], $0x800  }
0x8a: {  	[sflag:s17] =	ssyncset.done @!p2 $0x0  }
0x8b: {  	s19 =	simm.s32 @!p2 $0x7800;
	[sflag:s17] =	ssyncadd.s32 @!p2 $0xFFFFF800;
	s17 =	sadd.s32 @!p2 $0x2A80, s13  }
0x8c: {  	[spmem:s1] =	stream.indirect.scatter.add.f32 @!p2 [tilespmem:s19], [sflag:$0x9], $0x10, s17, s16, $0xb8;
	[tilespmem:$0xDE30] =	vst v63  }
0x8d: {  	_ =	swait.ge @!p2 [sflag:s21], $0x800  }
0x8e: {  	[sflag:s21] =	ssyncset.done @!p2 $0x0  }
0x8f: {  	s13 =	sadd.s32 @!p2 $0x680, s13;
	[sflag:s21] =	ssyncadd.s32 @!p2 $0xFFFFF800  }
0x90: {  	[tilespmem:s19], [sflag:$0x6] =	stream.indirect.gather @!p2 [spmem:s2], $0x10, s13, s16, $0xb8;
	[tilespmem:$0xDE30] =	vst v63  }
0x91: {  	_ =	swait.ge [sflag:s11], $0x800  }
0x92: {  	[sflag:s11] =	ssyncset.done $0x0  }
.Ltmp5:
0x93: {  	s24 =	sadd.s32 $0x2B00, s10;
	[sflag:s11] =	ssyncadd.s32 $0xFFFFF800;
	(pc) =	sbr.rel @p2 .LBB2_9-.Ltmp5, $4  }
0x94: {  	[spmem:s1] =	stream.indirect.scatter.add.f32 [tilespmem:s26], [sflag:$0x9], $0x10, s24, s14, $0xb8;
	[tilespmem:$0xDE30] =	vst v63  }
0x95: {  	_ =	swait.ge [sflag:s12], $0x800  }
0x96: {  	[sflag:s12] =	ssyncset.done $0x0  }
0x97: {  	s13 =	sadd.s32 $0x2B80, s10;
	[sflag:s12] =	ssyncadd.s32 $0xFFFFF800  }
0x98: {  	s16 =	sadd.s32 $0x700, s10  }
0x99: {  	[tilespmem:s26], [sflag:$0x7] =	stream.indirect.gather [spmem:s2], $0x10, s16, s14, $0xb8;
	[tilespmem:$0xDE30] =	vst v63  }
0x9a: {  	_ =	swait.ge [sflag:s4], $0x800  }
0x9b: {  	[sflag:s4] =	ssyncset.done $0x0  }
0x9c: {  	[sflag:s4] =	ssyncadd.s32 $0xFFFFF800  }
0x9d: {  	[spmem:s1] =	stream.indirect.scatter.add.f32 [tilespmem:s29], [sflag:$0x9], $0x10, s13, s14, $0xb8;
	[tilespmem:$0xDE30] =	vst v63  }
.Ltmp6:
0x9e: {  	_ = 	snop;
	(pc) =	sbr.rel .LBB2_7-.Ltmp6, $4  }
0x9f: {  	_ =	swait.ge [sflag:s12], $0x800  }
0xa0: {  	[sflag:s12] =	ssyncset.done $0x0  }
0xa1: {  	s24 =	sadd.s32 $0x780, s10;
	s5 =	sadd.s32 $0x1000, s5;
	[sflag:s12] =	ssyncadd.s32 $0xFFFFF800  }
0xa2: {  	[tilespmem:s29], [sflag:$0x8] =	stream.indirect.gather [spmem:s2], $0x10, s24, s14, $0xb8;
	[tilespmem:$0xDE30] =	vst v63  }
.LBB2_10:
0xa3: {  	_ =	sfence.sel $0x180000  }
0xa4: {  	[bflag:$0x0] =	sbarrier.arrive $0xFFFF  }
0xa5: {  	_ =	strace $0x9000004D  }
0xa6: {  	[bflag:$0x2] =	sbarrier.arrive $0xFFFF  }
0xa7: {  	s0 =	rddreg [dreg:$0x4]  }
0xa8: {  	s0 =	sadd.s32 @!p1 $0x100000, s0  }
0xa9: {  	[sflag:s0] =	ssyncadd.tile.s32 @!p1 $0x1;
	_ =	shalt  }
.Lfunc_end2:
_tile_overlayer_lowered:
.L_overlay_start_2:
0xaa: {  	(tag) =	ssettag $0x2  }
0xab: {  	s0 =	rddreg [dreg:$0x0];
	s2 =	stileid.u32  }
0xac: {  	s1 =	rddreg [dreg:$0x1];
	p0 =	sne.s32 s2, $0x0  }
0xad: {  	s3 =	rddreg [dreg:$0x2];
	[bflag:$0x3] =	sbarrier.arrive $0xFFFF;
	s2 =	simm.s32 @!p0 $0x1C09  }
0xae: {  	[timem:s3], [sflag:s2] =	dma.local @!p0 [hbm:s0], s1  }
0xaf: {  	s0 =	simm.s32 @!p0 $0x9  }
0xb0: {  	_ =	swait.ge @!p0 [sflag:s0], s1  }
0xb1: {  	s1 =	ssub.s32 @!p0 $0x0, s1;
	[sflag:s0] =	ssyncset.done @!p0 $0x0  }
0xb2: {  	[sflag:s0] =	ssyncadd.s32 @!p0 s1  }
0xb3: {  	[bflag:$0x3] =	sbarrier.arrive $0xFFFF  }
0xb4: {  	_ =	shalt  }

// kernel: kernel.8.cloned.1.call-start
scs
__scs_entry_jumppad:
0x0: {  	(pc) =	sbr.rel $0x88, $3  }
0x1: {  	(tag) =	ssettag $0x0;
	lr =	simm.s32 $0x1  }
0x2: {  	[smem:$0x3F9B] =	sst lr;
	_ =	strace $0xD0000000  }
0x3: {  	_ = 	snop  }
0x4: {  	_ = 	snop  }
0x5: {  	_ = 	snop  }
0x6: {  	_ = 	snop  }
0x7: {  	_ = 	snop  }
__scs_overlays_trampoline_lowered:
0x8: {  	[smem:$0x3FAA] =	sst s0  }
0x9: {  	[smem:$0x3FAB] =	sst s1  }
0xa: {  	[smem:$0x3FAC] =	sst s2  }
0xb: {  	[smem:$0x3FAD] =	sst s3  }
0xc: {  	[smem:$0x3FAE] =	sst s4  }
0xd: {  	[smem:$0x3FAF] =	sst s5  }
0xe: {  	[smem:$0x3FB0] =	sst s6  }
0xf: {  	[smem:$0x3FB1] =	sst s7  }
0x10: {  	[smem:$0x3FB2] =	sst s8  }
0x11: {  	[smem:$0x3FB3] =	sst s9;
	s0 =	simm.s32 @!p0 $0x0  }
0x12: {  	s1 =	sld [smem:$0x3F99];
	s0 =	simm.s32 @p0 $0x1  }
0x13: {  	[smem:$0x3FB4] =	sst s0;
	s0 =	simm.s32 @!p1 $0x0  }
0x14: {  	s2 =	sld [smem:$0x3F98];
	s0 =	simm.s32 @p1 $0x1  }
0x15: {  	[smem:$0x3FB5] =	sst s0;
	s0 =	simm.s32 @!p2 $0x0  }
0x16: {  	s3 =	sld [smem:$0x3FDB];
	s0 =	simm.s32 @p2 $0x1  }
0x17: {  	s4 =	simm.s32 $0x1BF5;
	[smem:$0x3FB7] =	sst s0  }
0x18: {  	s0 =	sld [smem:$0x3F9A];
	_ =	swait.ge [sflag:s4], $0x0  }
0x19: {  	s7 =	sld [smem:$0x3F9B]  }
0x1a: {  	s8 =	sadd.s32 $0xFFFFE003, lr  }
0x1b: {  	s9 =	sadd.s32 $0xFFFFFEF7, lr;
	s5 =	simm.s32 $0xFFFFFFFF;
	p2 =	slt.u32 s8, $0xFFFFF086  }
0x1c: {  	p1 =	slt.u32 s9, $0xF7A;
	s5 =	simm.s32 @!p2 $0x0  }
0x1d: {  	s5 =	simm.s32 @p1 $0x1;
	p0 =	seq.s32 s7, s2  }
0x1e: {  	s7 =	smul.u32 @!p0 $0xF7A, s2;
	p2 =	seq.s32 @!p0 s5, $0x0  }
0x1f: {  	s9 =	smul.u32 $0xF7A, s1;
	s8 =	simm.s32 @!p0 $0x1BF5;
	p2 =	por !p2, p0  }
0x20: {  	[sflag:s8] =	ssyncset.s32 @!p0 $0xFFFFF086;
	s6 =	sadd.s32 @!p0 s3, s7;
	s7 =	simm.s32 @!p0 $0x108  }
0x21: {  	s3 =	sadd.s32 s3, s9;
	s6 =	sadd.s32 @!p0 $0x88, s6;
	s7 =	simm.s32 @p2 $0x1082  }
0x22: {  	[simem:s7], [sflag:s8] =	dma.local @!p0 [hbm:s6], $0xF7A  }
0x23: {  	s9 =	sor.u32 $0xD0000000, s2;
	s6 =	simm.s32 $0x108;
	_ =	swait.ge @!p0 [sflag:s8], $0x0  }
0x24: {  	s3 =	sadd.s32 $0x88, s3;
	s6 =	simm.s32 @!p1 $0x1082;
	[sflag:s4] =	ssyncset.s32 $0xFFFFF086  }
0x25: {  	[simem:s6], [sflag:s4] =	dma.local [hbm:s3], $0xF7A  }
0x26: {  	[smem:$0x3F9B] =	sst s1;
	(tag) =	ssettag s2;
	_ =	strace s9  }
0x27: {  	s1 =	sld [smem:$0x3FAB]  }
0x28: {  	s2 =	sld [smem:$0x3FAC]  }
0x29: {  	s4 =	sld [smem:$0x3FAE]  }
0x2a: {  	p0 =	seq.s32 s5, $0x0;
	s5 =	sld [smem:$0x3FAF]  }
0x2b: {  	s6 =	sld [smem:$0x3FB0]  }
0x2c: {  	s7 =	sld [smem:$0x3FB1]  }
0x2d: {  	s3 =	simm.s32 $0x108;
	s8 =	sld [smem:$0x3FB2]  }
0x2e: {  	s3 =	simm.s32 @!p0 $0x1082;
	s9 =	sld [smem:$0x3FB3]  }
0x2f: {  	lr =	sadd.s32 s0, s3;
	s0 =	sld [smem:$0x3FAA]  }
0x30: {  	s3 =	sld [smem:$0x3FAD]  }
0x31: {  	[smem:$0x3FB6] =	sst s10  }
0x32: {  	s10 =	sld [smem:$0x3FB4];
	_ =	sdelay $0x3  }
0x33: {  	p0 =	seq.s32 s10, $0x1;
	s10 =	sld [smem:$0x3FB6];
	_ =	sdelay $0x3  }
0x34: {  	[smem:$0x3FB6] =	sst s10  }
0x35: {  	s10 =	sld [smem:$0x3FB5];
	_ =	sdelay $0x3  }
0x36: {  	p1 =	seq.s32 s10, $0x1;
	s10 =	sld [smem:$0x3FB6];
	_ =	sdelay $0x3  }
0x37: {  	[smem:$0x3FB6] =	sst s10  }
0x38: {  	s10 =	sld [smem:$0x3FB7]  }
0x39: {  	_ = 	snop;
	(pc) =	sbr.ind lr, $3  }
0x3a: {  	_ = 	snop  }
0x3b: {  	_ = 	snop  }
0x3c: {  	p2 =	seq.s32 s10, $0x1;
	s10 =	sld [smem:$0x3FB6]  }
0x3d: {  	_ =	shalt  }
0x3e: {  	_ =	shalt  }
0x3f: {  	_ =	shalt  }
0x40: {  	_ =	shalt  }
0x41: {  	_ =	shalt  }
0x42: {  	_ =	shalt  }
0x43: {  	_ =	shalt  }
0x44: {  	_ =	shalt  }
0x45: {  	_ =	shalt  }
0x46: {  	_ =	shalt  }
0x47: {  	_ =	shalt  }
0x48: {  	_ =	shalt  }
0x49: {  	_ =	shalt  }
0x4a: {  	_ =	shalt  }
0x4b: {  	_ =	shalt  }
0x4c: {  	_ =	shalt  }
0x4d: {  	_ =	shalt  }
0x4e: {  	_ =	shalt  }
0x4f: {  	_ =	shalt  }
0x50: {  	_ =	shalt  }
0x51: {  	_ =	shalt  }
0x52: {  	_ =	shalt  }
0x53: {  	_ =	shalt  }
0x54: {  	_ =	shalt  }
0x55: {  	_ =	shalt  }
0x56: {  	_ =	shalt  }
0x57: {  	_ =	shalt  }
0x58: {  	_ =	shalt  }
0x59: {  	_ =	shalt  }
0x5a: {  	_ =	shalt  }
0x5b: {  	_ =	shalt  }
0x5c: {  	_ =	shalt  }
0x5d: {  	_ =	shalt  }
0x5e: {  	_ =	shalt  }
0x5f: {  	_ =	shalt  }
0x60: {  	_ =	shalt  }
0x61: {  	_ =	shalt  }
0x62: {  	_ =	shalt  }
0x63: {  	_ =	shalt  }
0x64: {  	_ =	shalt  }
0x65: {  	_ =	shalt  }
0x66: {  	_ =	shalt  }
0x67: {  	_ =	shalt  }
0x68: {  	_ =	shalt  }
0x69: {  	_ =	shalt  }
0x6a: {  	_ =	shalt  }
0x6b: {  	_ =	shalt  }
0x6c: {  	_ =	shalt  }
0x6d: {  	_ =	shalt  }
0x6e: {  	_ =	shalt  }
0x6f: {  	_ =	shalt  }
0x70: {  	_ =	shalt  }
0x71: {  	_ =	shalt  }
0x72: {  	_ =	shalt  }
0x73: {  	_ =	shalt  }
0x74: {  	_ =	shalt  }
0x75: {  	_ =	shalt  }
0x76: {  	_ =	shalt  }
0x77: {  	_ =	shalt  }
0x78: {  	_ =	shalt  }
0x79: {  	_ =	shalt  }
0x7a: {  	_ =	shalt  }
0x7b: {  	_ =	shalt  }
0x7c: {  	_ =	shalt  }
0x7d: {  	_ =	shalt  }
0x7e: {  	_ =	shalt  }
0x7f: {  	_ =	shalt  }
0x80: {  	_ =	shalt  }
0x81: {  	_ =	shalt  }
0x82: {  	_ =	shalt  }
0x83: {  	_ =	shalt  }
0x84: {  	_ =	shalt  }
0x85: {  	_ =	shalt  }
0x86: {  	_ =	shalt  }
0x87: {  	_ =	shalt  }
.Lfunc_end0:
.L_simem_size_0:
called_computation_lowered:
.L_overlay_start_0:
0x88: {  	s2 =	sld [smem:$0x3FD9]  }
0x89: {  	s3 =	sld [smem:$0x3FFE];
	_ =	sdelay $0x1  }
0x8a: {  	s1 =	srdreg.scid  }
0x8b: {  	s0 =	sand.u32 $0x1, s1  }
0x8c: {  	s16 =	sshll.u32 s0, $0xA;
	s2 =	sadd.s32 s3, s2  }
0x8d: {  	s2 =	sadd.s32 s2, s16  }
0x8e: {  	[smem:$0x3FC2] =	sst s2  }
0x8f: {  	_ = 	snop  }
0x90: {  	(tm) =	ssettm $0x1  }
0x91: {  	s17 =	sld [smem:$0x3FFB];
	_ =	sdelay $0x3  }
0x92: {  	_ =	strace s17  }
0x93: {  	s2 =	sld [smem:$0x3FFC];
	_ =	sdelay $0x3  }
0x94: {  	_ =	strace s2  }
0x95: {  	s2 =	sld [smem:$0x3FFD];
	_ =	sdelay $0x3  }
0x96: {  	_ =	strace s2  }
0x97: {  	_ =	strace $0x8FFFFFFF  }
0x98: {  	s18 =	sld [smem:$0x3FDB];
	_ =	sdelay $0x1  }
0x99: {  	s19 =	simm.s32 $_scs_section_size  }
0x9a: {  	s4 =	simm.s32 $_size__tile_overlayer_lowered;
	s5 =	simm.s32 $_tile_overlayer_lowered  }
0x9b: {  	s22 =	simm.s32 $0x1BFF;
	s21 =	sshll.u32 s5, $0x1;
	s2 =	sadd.s32 s19, s18  }
0x9c: {  	s6 =	simm.s32 $0x0;
	s20 =	sshll.u32 s4, $0x1;
	s4 =	sadd.s32 s21, s2  }
0x9d: {  	[timem:s6], [sflag:s22] =	dma.local [hbm:s4], s20  }
0x9e: {  	_ =	swait.ge [sflag:s22], s20  }
0x9f: {  	s3 =	ssub.s32 $0x0, s20;
	[sflag:s22] =	ssyncset.done $0x0  }
0xa0: {  	[sflag:s22] =	ssyncadd.s32 s3;
	_ =	sdelay $0x1  }
0xa1: {  	s23 =	simm.s32 $0x1B8B  }
0xa2: {  	_ =	swait.ge [sflag:s23], $0x1  }
0xa3: {  	[sflag:s23] =	ssyncset.done $0x0  }
0xa4: {  	s25 =	simm.s32 $0x1B8E;
	s24 =	sld [smem:$0x3FFE];
	[sflag:s23] =	ssyncadd.s32 $0xFFFFFFFF  }
0xa5: {  	s26 =	simm.s32 $execute0_lowered;
	[smem:$0x3FD2] =	sst s25  }
0xa6: {  	s4 =	sshll.u32 s26, $0x1;
	_ =	strace $0x80000046;
	[dreg:$0x1] =	wrdreg $0xFFFFFFFF  }
0xa7: {  	s28 =	simm.s32 $_size_execute0_lowered;
	s2 =	sadd.s32 s2, s4;
	[dreg:$0x0] =	wrdreg $0x0  }
0xa8: {  	s4 =	sshll.u32 s28, $0x1;
	[dreg:$0x2] =	wrdreg s2  }
0xa9: {  	[dreg:$0x3] =	wrdreg s4  }
0xaa: {  	[dreg:$0x4] =	wrdreg $0xC0  }
0xab: {  	_ =	task [dreg:s6], $0x5FFFF  }
0xac: {  	[dreg:$0x1] =	wrdreg $0xFFFFFFFF  }
0xad: {  	[dreg:$0x0] =	wrdreg $0x60  }
0xae: {  	[dreg:$0x2] =	wrdreg s24  }
0xaf: {  	[dreg:$0x3] =	wrdreg $0x30000  }
0xb0: {  	[dreg:$0x4] =	wrdreg $0x9  }
0xb1: {  	_ =	task.clear_ibuf [dreg:s6], $0x5FFFF;
	_ =	strace $0x90000046  }
0xb2: {  	s29 =	simm.s32 $0x9;
	_ =	strace $0x80000048  }
0xb3: {  	_ =	swait.ge [sflag:s29], $0x1  }
0xb4: {  	[sflag:s29] =	ssyncadd.s32 $0xFFFFFFFF  }
0xb5: {  	_ =	strace $0x90000048  }
0xb6: {  	_ =	sfence  }
0xb7: {  	s30 =	sld [smem:$0x0];
	_ =	sdelay $0x2  }
0xb8: {  	s31 =	sshll.u32 s1, $0xD;
	s1 =	sshrl.u32 s1, $0x2  }
0xb9: {  	s3 =	sand.u32 $0x4000, s31;
	s1 =	sadd.s32 s1, s30  }
0xba: {  	s0 =	sor.u32 s3, s0;
	s1 =	sshll.u32 s1, $0x11  }
0xbb: {  	s0 =	sor.u32 s1, s0  }
0xbc: {  	s0 =	sadd.s32 $0x8F2B, s0  }
0xbd: {  	[sflag:s0] =	ssyncadd.remote.s32 $0x1  }
0xbe: {  	_ =	sfence.sel $0xFFFF  }
0xbf: {  	[dreg:$0x0] =	wrdreg $0xFFFFFFFF;
	(pc) =	sbr.abs _section_cstart, $3  }
0xc0: {  	[dreg:$0x1] =	wrdreg $0xFFFFFFFF  }
0xc1: {  	_ =	task.clear_ibuf [dreg:s6], $0x2FFFF;
	_ =	strace $0x9FFFFFFF  }
0xc2: {  	(tm) =	ssettm $0x7FFFFFFF  }
0xc3: {  	_ =	shalt  }
tec
execute0_lowered:
.L_overlay_start_1:
0x0: {  	(tag) =	ssettag $0x1  }
0x1: {  	s0 =	srdreg.scid;
	s5 =	rddreg [dreg:$0x0]  }
0x2: {  	s1 =	rddreg [dreg:$0x1];
	s7 =	stileid.u32;
	s2 =	simm.s32 $0x0  }
0x3: {  	s11 =	simm.s32 $0x80;
	s3 =	sand.u32 $0x1, s0;
	s0 =	rddreg [dreg:$0x2]  }
0x4: {  	s12 =	simm.s32 $0x0;
	[smem:$0x7FF] =	sst s2;
	p0 =	sne.s32 s7, $0x0  }
0x5: {  	s4 =	sshll.u32 s3, $0x4;
	_ =	strace $0x80000047;
	s6 =	smul.u32 $0x4E30, s3  }
0x6: {  	s8 =	ssub.s32 $0x2, s3;
	s3 =	sadd.s32 $0xB800, s5;
	s4 =	sor.u32 s7, s4  }
0x7: {  	s10 =	sshrl.u32 s8, $0x1;
	s4 =	smul.u32 $0x500, s4;
	s6 =	sadd.s32 s6, s5  }
0x8: {  	s8 =	ssub.s32 s8, s10;
	s10 =	simm.s32 $0x2800;
	s6 =	sadd.s32 $0x10A00, s6  }
0x9: {  	s7 =	smax.u32 s8, $0x1;
	s8 =	sshrl.u32 @!p0 s1, $0x3;
	s9 =	sadd.s32 s4, s5  }
0xa: {  	s4 =	sadd.s32 $0xBA00, s5;
	s5 =	sadd.s32 $0x1800, s9;
	s9 =	simm.s32 $0x1  }
.LBB2_1:
0xb: {  	s13 =	simm.s32 @!p0 $0x1C01  }
0xc: {  	[spmem:s8], [sflag:s13] =	dma.local @!p0 [hbm:s4], $0x4E30  }
0xd: {  	s13 =	simm.s32 @!p0 $0x1  }
0xe: {  	_ =	swait.ge @!p0 [sflag:s13], $0x4E30  }
0xf: {  	[sflag:s13] =	ssyncset.done @!p0 $0x0  }
0x10: {  	[sflag:s13] =	ssyncadd.s32 @!p0 $0xFFFFB1D0  }
0x11: {  	[tilespmem:s2], [sflag:$0x1] =	stream.linear.gather [hbm4b:s5+s2], $0x2800, $0x38;
	[tilespmem:$0x5718] =	vst v63  }
0x12: {  	_ =	swait.ge [sflag:s9], $0x2800  }
0x13: {  	[sflag:s9] =	ssyncset.done $0x0  }
0x14: {  	[sflag:s9] =	ssyncadd.s32 $0xFFFFD800  }
0x15: {  	[tilespmem:s10], [sflag:$0x1] =	stream.linear.gather [hbm4b:s3+s2], $0x800, $0x38;
	[tilespmem:$0x5718] =	vst v63  }
0x16: {  	_ =	swait.ge [sflag:s9], $0x800  }
0x17: {  	[sflag:s9] =	ssyncset.done $0x0  }
0x18: {  	[sflag:s9] =	ssyncadd.s32 $0xFFFFF800  }
0x19: {  	s31 =	simm.s32 $0x0;
	[bflag:$0x0] =	sbarrier.arrive $0xFFFF  }
0x1a: {  	[spmem:s1] =	stream.indirect.scatter.add.f32 [tilespmem:s10], [sflag:$0x1], $0x10, s31, s11, $0xb8;
	[tilespmem:$0x5718] =	vst v63  }
0x1b: {  	_ =	swait.ge [sflag:s9], $0x800  }
0x1c: {  	s13 =	simm.s32 $0x200;
	[sflag:s9] =	ssyncset.done $0x0  }
.LBB2_2:
0x1d: {  	s14 =	sshra.s32 s13, $0x2;
	[sflag:s9] =	ssyncadd.s32 $0xFFFFF800;
	p1 =	sne.s32 s13, $0x9E00  }
0x1e: {  	[spmem:s1] =	stream.indirect.scatter.add.f32 [tilespmem:s10], [sflag:$0x1], $0x10, s14, s11, $0xb8;
	[tilespmem:$0x5718] =	vst v63  }
.Ltmp0:
0x1f: {  	_ = 	snop;
	(pc) =	sbr.rel @p1 .LBB2_2-.Ltmp0, $4  }
0x20: {  	_ = 	snop  }
0x21: {  	s13 =	sadd.s32 $0x200, s13  }
0x22: {  	_ =	swait.ge [sflag:s9], $0x800  }
0x23: {  	[sflag:s9] =	ssyncset.done $0x0  }
0x24: {  	[sflag:s9] =	ssyncadd.s32 $0xFFFFF800;
	s12 =	sadd.s32 $0x1, s12  }
0x25: {  	s13 =	simm.s32 @!p0 $0x1C01;
	[bflag:$0x0] =	sbarrier.arrive $0xFFFF;
	p1 =	sne.s32 s12, s7  }
0x26: {  	[hbm:s6], [sflag:s13] =	dma.local @!p0 [spmem:s8], $0x4E30  }
.Ltmp1:
0x27: {  	_ = 	snop;
	(pc) =	sbr.rel @p1 .LBB2_1-.Ltmp1, $4  }
0x28: {  	s13 =	simm.s32 @!p0 $0x1  }
0x29: {  	_ =	swait.ge @!p0 [sflag:s13], $0x4E30  }
0x2a: {  	[sflag:s13] =	ssyncset.done @!p0 $0x0  }
0x2b: {  	[sflag:s13] =	ssyncadd.s32 @!p0 $0xFFFFB1D0  }
0x2c: {  	_ =	sfence.sel $0x180000  }
0x2d: {  	[bflag:$0x0] =	sbarrier.arrive $0xFFFF  }
0x2e: {  	_ =	strace $0x90000047  }
0x2f: {  	s0 =	sadd.s32 @!p0 $0x100000, s0;
	[bflag:$0x2] =	sbarrier.arrive $0xFFFF  }
0x30: {  	[sflag:s0] =	ssyncadd.tile.s32 @!p0 $0x1;
	_ =	shalt  }
.Lfunc_end2:
_tile_overlayer_lowered:
.L_overlay_start_2:
0x31: {  	(tag) =	ssettag $0x2  }
0x32: {  	s0 =	rddreg [dreg:$0x0];
	s2 =	stileid.u32  }
0x33: {  	s1 =	rddreg [dreg:$0x1];
	p0 =	sne.s32 s2, $0x0  }
0x34: {  	s3 =	rddreg [dreg:$0x2];
	[bflag:$0x3] =	sbarrier.arrive $0xFFFF;
	s2 =	simm.s32 @!p0 $0x1C01  }
0x35: {  	[timem:s3], [sflag:s2] =	dma.local @!p0 [hbm:s0], s1  }
0x36: {  	s0 =	simm.s32 @!p0 $0x1  }
0x37: {  	_ =	swait.ge @!p0 [sflag:s0], s1  }
0x38: {  	s1 =	ssub.s32 @!p0 $0x0, s1;
	[sflag:s0] =	ssyncset.done @!p0 $0x0  }
0x39: {  	[sflag:s0] =	ssyncadd.s32 @!p0 s1  }
0x3a: {  	[bflag:$0x3] =	sbarrier.arrive $0xFFFF  }
0x3b: {  	_ =	shalt  }

</sc_bundles>
